<compile_context>
chip_gen: v7x
topology: tpu7x:2x2x1
jax: 0.10.2.dev20260603
libtpu: 0.0.44.dev20260713+nightly
codegen_flags: <defaults>
</compile_context>

<pallas_src>
import functools

import jax
import jax.numpy as jnp
from jax import lax
from jax.experimental import pallas as pl
from jax.experimental.pallas import tpu as pltpu
from jax.experimental.pallas import tpu_sc as plsc

B = 8
N = 2048
FDIM = 64
HID = 32
K = 6
ROWS = 1024
HALVES = 1
BH = B // HALVES

NC = 2
NS = 16
NW = NC * NS
QPW = (BH * N) // NW
CHUNK = 128
NCHUNK = QPW // CHUNK


def _knn_body(inp_ref, pc_ref, w1_ref, b1_ref, knn_ref, g_ref, *, half):
    b = pl.program_id(0)
    rt = pl.program_id(1)
    x = inp_ref[0]
    c = pc_ref[0]
    qx = x[:, 0:1]
    qy = x[:, 1:2]
    dx = qx - c[0:1, :]
    dy = qy - c[1:2, :]
    dsq = dx * dx + dy * dy
    colio = lax.broadcasted_iota(jnp.int32, (ROWS, N), 1)
    rowio = lax.broadcasted_iota(jnp.int32, (ROWS, N), 0) + rt * ROWS
    colf = colio.astype(jnp.float32)
    big = jnp.float32(jnp.inf)
    bigf = jnp.float32(float(N))
    dsq = jnp.where(colio == rowio, big, dsq)
    base = b * N
    cols = []
    for _ in range(K):
        m = jnp.min(dsq, axis=1, keepdims=True)
        cand = jnp.where(dsq == m, colf, bigf)
        am = jnp.min(cand, axis=1, keepdims=True)
        cols.append(am)
        dsq = jnp.where(cand == am, big, dsq)
    knn_ref[0] = jnp.concatenate(cols, axis=1).astype(jnp.int32) + base
    g_ref[0] = (
        jnp.dot(x[:, 2:], w1_ref[...], preferred_element_type=jnp.float32)
        + b1_ref[...]
    )


def _knn_call(inputs, pc, w1, b1, half):
    return pl.pallas_call(
        functools.partial(_knn_body, half=half),
        grid=(BH, N // ROWS),
        in_specs=[
            pl.BlockSpec((1, ROWS, 2 + FDIM), lambda b, r: (b + half * BH, r, 0)),
            pl.BlockSpec((1, 2, N), lambda b, r: (b + half * BH, 0, 0)),
            pl.BlockSpec((FDIM, HID), lambda b, r: (0, 0)),
            pl.BlockSpec((1, HID), lambda b, r: (0, 0)),
        ],
        out_specs=[
            pl.BlockSpec((1, ROWS, K), lambda b, r: (b, r, 0)),
            pl.BlockSpec((1, ROWS, HID), lambda b, r: (b, r, 0)),
        ],
        out_shape=[
            jax.ShapeDtypeStruct((BH, N, K), jnp.int32),
            jax.ShapeDtypeStruct((BH, N, HID), jnp.float32),
        ],
    )(inputs, pc, w1, b1)


def _make_gather_mean():
    mesh = plsc.VectorSubcoreMesh(core_axis_name="c", subcore_axis_name="s")

    @functools.partial(
        pl.kernel,
        mesh=mesh,
        compiler_params=pltpu.CompilerParams(use_tc_tiling_on_sc=False),
        out_type=jax.ShapeDtypeStruct((BH * N, HID), jnp.float32),
        scratch_types=[
            pltpu.VMEM((K * CHUNK,), jnp.int32),
            pltpu.VMEM((K * CHUNK,), jnp.int32),
            pltpu.VMEM((K * CHUNK, HID), jnp.float32),
            pltpu.VMEM((K * CHUNK, HID), jnp.float32),
            pltpu.VMEM((CHUNK, HID), jnp.float32),
            pltpu.VMEM((CHUNK, HID), jnp.float32),
            pltpu.SemaphoreType.DMA,
            pltpu.SemaphoreType.DMA,
            pltpu.SemaphoreType.DMA,
            pltpu.SemaphoreType.DMA,
            pltpu.SemaphoreType.DMA,
        ],
    )
    def _gather_mean(idx_hbm, g_hbm, out_hbm, idx0, idx1, rows0, rows1,
                     acc0, acc1, semi0, semi1, semg0, semg1, semo):
        wid = lax.axis_index("s") * NC + lax.axis_index("c")
        idxs = (idx0, idx1)
        rows = (rows0, rows1)
        accs = (acc0, acc1)
        semis = (semi0, semi1)
        semgs = (semg0, semg1)

        def _qbase(c):
            return wid * QPW + c * CHUNK

        idx_cp = [None] * NCHUNK
        for c in range(min(2, NCHUNK)):
            idx_cp[c] = pltpu.async_copy(
                idx_hbm.at[pl.ds(_qbase(c) * K, K * CHUNK)], idxs[c % 2], semis[c % 2]
            )

        def _fire_gathers(c):
            idx_cp[c].wait()
            return [
                pltpu.async_copy(
                    g_hbm.at[idxs[c % 2].at[pl.ds(j * CHUNK, CHUNK)]],
                    rows[c % 2].at[pl.ds(j * CHUNK, CHUNK)],
                    semgs[c % 2],
                )
                for j in range(K)
            ]

        def _accumulate(c):
            def _addq(q):
                r = q * K
                for v in range(HID // 16):
                    sl = pl.ds(v * 16, 16)
                    accs[c % 2][q, sl] = (
                        (rows[c % 2][r, sl] + rows[c % 2][r + 1, sl])
                        + (rows[c % 2][r + 2, sl] + rows[c % 2][r + 3, sl])
                        + (rows[c % 2][r + 4, sl] + rows[c % 2][r + 5, sl])
                    )

            plsc.parallel_loop(0, CHUNK, 1, unroll=4)(_addq)

        g_cp = [None] * NCHUNK
        g_cp[0] = _fire_gathers(0)
        if NCHUNK > 1:
            g_cp[1] = _fire_gathers(1)
        out_cp = [None] * NCHUNK
        for c in range(NCHUNK):
            for cp in g_cp[c]:
                cp.wait()
            if c + 2 < NCHUNK:
                idx_cp[c + 2] = pltpu.async_copy(
                    idx_hbm.at[pl.ds(_qbase(c + 2) * K, K * CHUNK)],
                    idxs[c % 2],
                    semis[c % 2],
                )
            if c >= 2:
                out_cp[c - 2].wait()
            _accumulate(c)
            out_cp[c] = pltpu.async_copy(
                accs[c % 2], out_hbm.at[pl.ds(_qbase(c), CHUNK)], semo
            )
            if c + 2 < NCHUNK:
                g_cp[c + 2] = _fire_gathers(c + 2)
        for c in range(max(0, NCHUNK - 2), NCHUNK):
            out_cp[c].wait()

    return _gather_mean


def _mlp_body(agg_ref, w2_ref, b2_ref, out_ref):
    h = jnp.maximum(agg_ref[...] * jnp.float32(1.0 / 6.0), 0.0)
    out_ref[...] = (
        jnp.dot(h, w2_ref[...], preferred_element_type=jnp.float32) + b2_ref[...]
    )


def _mlp_call(agg, w2, b2):
    return pl.pallas_call(
        _mlp_body,
        grid=((BH * N) // ROWS,),
        in_specs=[
            pl.BlockSpec((ROWS, HID), lambda r: (r, 0)),
            pl.BlockSpec((HID, FDIM), lambda r: (0, 0)),
            pl.BlockSpec((1, FDIM), lambda r: (0, 0)),
        ],
        out_specs=pl.BlockSpec((ROWS, FDIM), lambda r: (r, 0)),
        out_shape=jax.ShapeDtypeStruct((BH * N, FDIM), jnp.float32),
    )(agg, w2, b2)


def kernel(inputs, W1, b1, W2, b2):
    pos = inputs[..., :2]
    pc = jnp.transpose(pos, (0, 2, 1))
    b1r = b1.reshape(1, HID)
    b2r = b2.reshape(1, FDIM)
    gather_mean = _make_gather_mean()
    upds = []
    for half in range(HALVES):
        knn, g = _knn_call(inputs, pc, W1, b1r, half)
        agg = gather_mean(knn.reshape(BH * N * K), g.reshape(BH * N, HID))
        upds.append(_mlp_call(agg, W2, b2r).reshape(BH, N, FDIM))
    upd = jnp.concatenate(upds, axis=0)
    return jnp.concatenate([pos, upd], axis=-1)

# --- scband reference (transcript-rebuilt; emitter-appended) ---
"""Pipeline reference for scband-grav-net-layer-14267881357574 (READ-ONLY COPY).

The authoritative reference and input builder live on the scoring server;
editing this copy changes nothing except your own understanding.
"""

import jax, jax.numpy as jnp
import numpy as np

FEATURE_DIM = 64
K = 6


def setup_inputs(seed: int = 0) -> dict:
    key = jax.random.key(seed)
    k1, k2, k3 = jax.random.split(key, 3)
    inputs = jax.random.normal(k1, (8, 2048, 2 + FEATURE_DIM), dtype=jnp.float32)
    # MLP params: Dense(32, relu) then Dense(FEATURE_DIM)
    W1 = (jax.random.normal(k2, (FEATURE_DIM, 32), dtype=jnp.float32) * (1.0 / np.sqrt(FEATURE_DIM))).astype(jnp.float32)
    b1 = jnp.zeros((32,), dtype=jnp.float32)
    W2 = (jax.random.normal(k3, (32, FEATURE_DIM), dtype=jnp.float32) * (1.0 / np.sqrt(32.0))).astype(jnp.float32)
    b2 = jnp.zeros((FEATURE_DIM,), dtype=jnp.float32)
    return {"inputs": inputs, "W1": W1, "b1": b1, "W2": W2, "b2": b2}


def reference(inputs, W1, b1, W2, b2):
    positions = inputs[..., :2]
    features = inputs[..., 2:]
    # pairwise distances [B, N, N]
    diff = positions[:, :, None, :] - positions[:, None, :, :]
    dists = jnp.linalg.norm(diff, axis=-1)
    # kNN indices, excluding self (index 0 after sort)
    knn_indices = jnp.argsort(dists, axis=-1)[..., 1:K + 1]  # [B, N, K]
    # batched gather: tf.gather(features, knn_indices, batch_dims=1)
    neighbor_features = jax.vmap(lambda f, idx: f[idx])(features, knn_indices)  # [B, N, K, F]
    aggregated = jnp.mean(neighbor_features, axis=-2)  # [B, N, F]
    h = jax.nn.relu(aggregated @ W1 + b1)
    updated = h @ W2 + b2
    return jnp.concatenate([positions, updated], axis=-1)

if __name__ == "__main__":
    import jax
    _d = setup_inputs()
    print(jax.jit(kernel)(*tuple(_d.values())))

</pallas_src>

<mosaic_0001>
#map = affine_map<(d0, d1) -> (0)>
#map1 = affine_map<(d0, d1) -> (0, 0)>
module attributes {stable_mosaic.version = 14 : i64} {
  func.func @_gather_mean(%arg0: i32, %arg1: i32, %arg2: memref<98304xi32, #tpu.memory_space<hbm>>, %arg3: memref<16384x32xf32, #tpu.memory_space<hbm>>, %arg4: memref<16384x32xf32, #tpu.memory_space<hbm>>, %arg5: memref<768xi32, #tpu.memory_space<vmem>>, %arg6: memref<768xi32, #tpu.memory_space<vmem>>, %arg7: memref<768x32xf32, #tpu.memory_space<vmem>>, %arg8: memref<768x32xf32, #tpu.memory_space<vmem>>, %arg9: memref<128x32xf32, #tpu.memory_space<vmem>>, %arg10: memref<128x32xf32, #tpu.memory_space<vmem>>, %arg11: memref<!tpu.dma_semaphore, #tpu.memory_space<semaphore_mem>>, %arg12: memref<!tpu.dma_semaphore, #tpu.memory_space<semaphore_mem>>, %arg13: memref<!tpu.dma_semaphore, #tpu.memory_space<semaphore_mem>>, %arg14: memref<!tpu.dma_semaphore, #tpu.memory_space<semaphore_mem>>, %arg15: memref<!tpu.dma_semaphore, #tpu.memory_space<semaphore_mem>>) attributes {dimension_semantics = [#tpu.dimension_semantics<core_parallel>, #tpu.dimension_semantics<subcore_parallel>], iteration_bounds = array<i64: 2, 16>, scalar_prefetch = 0 : i64, scratch_operands = 11 : i64, tpu.core_type = #tpu.core_type<sc_vector_subcore>, window_params = [{transform_indices = #map}, {transform_indices = #map1}, {transform_indices = #map1}]} {
    %mul3A = arith.constant 2 : i32
    %mul3A_0 = arith.muli %arg1, %mul3A : i32
    %add3A = arith.addi %mul3A_0, %arg0 : i32
    %mul3A_1 = arith.constant 512 : i32
    %mul3A_2 = arith.muli %add3A, %mul3A_1 : i32
    %add3A_3 = arith.constant 0 : i32
    %add3A_4 = arith.addi %mul3A_2, %add3A_3 : i32
    %mul3A_5 = arith.constant 6 : i32
    %mul3A_6 = arith.muli %add3A_4, %mul3A_5 : i32
    %dma_start3A = tpu.memref_slice %arg2[%mul3A_6] : memref<98304xi32, #tpu.memory_space<hbm>> -> memref<768xi32, #tpu.memory_space<hbm>>
    %dma_start3A_7 = tpu.memref_slice %arg2[%mul3A_6] : memref<98304xi32, #tpu.memory_space<hbm>> -> memref<768xi32, #tpu.memory_space<hbm>>
    tpu.enqueue_dma source(%dma_start3A_7 : memref<768xi32, #tpu.memory_space<hbm>>) target(%arg5 : memref<768xi32, #tpu.memory_space<vmem>>) target_semaphore(%arg11 : memref<!tpu.dma_semaphore, #tpu.memory_space<semaphore_mem>>)
    %mul3A_8 = arith.constant 512 : i32
    %mul3A_9 = arith.muli %add3A, %mul3A_8 : i32
    %add3A_10 = arith.constant 128 : i32
    %add3A_11 = arith.addi %mul3A_9, %add3A_10 : i32
    %mul3A_12 = arith.constant 6 : i32
    %mul3A_13 = arith.muli %add3A_11, %mul3A_12 : i32
    %dma_start3A_14 = tpu.memref_slice %arg2[%mul3A_13] : memref<98304xi32, #tpu.memory_space<hbm>> -> memref<768xi32, #tpu.memory_space<hbm>>
    %dma_start3A_15 = tpu.memref_slice %arg2[%mul3A_13] : memref<98304xi32, #tpu.memory_space<hbm>> -> memref<768xi32, #tpu.memory_space<hbm>>
    tpu.enqueue_dma source(%dma_start3A_15 : memref<768xi32, #tpu.memory_space<hbm>>) target(%arg6 : memref<768xi32, #tpu.memory_space<vmem>>) target_semaphore(%arg12 : memref<!tpu.dma_semaphore, #tpu.memory_space<semaphore_mem>>)
    %dma_wait3A = tpu.memref_slice %arg2[%mul3A_6] : memref<98304xi32, #tpu.memory_space<hbm>> -> memref<768xi32, #tpu.memory_space<hbm>>
    %dma_wait3A_16 = tpu.memref_slice %arg2[%mul3A_6] : memref<98304xi32, #tpu.memory_space<hbm>> -> memref<768xi32, #tpu.memory_space<hbm>>
    tpu.wait_dma2 semaphore(%arg11 : memref<!tpu.dma_semaphore, #tpu.memory_space<semaphore_mem>>) src(%dma_wait3A_16 : memref<768xi32, #tpu.memory_space<hbm>>) dst(%arg5 : memref<768xi32, #tpu.memory_space<vmem>>)
    %dma_start3A_17 = arith.constant 0 : i32
    %dma_start3A_18 = arith.constant 0 : i32
    %dma_start3A_19 = tpu.memref_slice %arg7[%dma_start3A_17, %dma_start3A_18] : memref<768x32xf32, #tpu.memory_space<vmem>> -> memref<128x32xf32, #tpu.memory_space<vmem>>
    %dma_start3A_20 = arith.constant 0 : i32
    %dma_start3A_21 = tpu.memref_slice %arg5[%dma_start3A_20] : memref<768xi32, #tpu.memory_space<vmem>> -> memref<128xi32, #tpu.memory_space<vmem>>
    %dma_start3A_22 = arith.constant 0 : i32
    %dma_start3A_23 = arith.constant 0 : i32
    %dma_start3A_24 = tpu.memref_slice %arg3[%dma_start3A_22, %dma_start3A_23] : memref<16384x32xf32, #tpu.memory_space<hbm>> -> memref<16384x32xf32, #tpu.memory_space<hbm>>
    tpu.enqueue_indirect_dma source(%dma_start3A_24 : memref<16384x32xf32, #tpu.memory_space<hbm>>) target(%dma_start3A_19 : memref<128x32xf32, #tpu.memory_space<vmem>>) offsets(%dma_start3A_21 : memref<128xi32, #tpu.memory_space<vmem>>) semaphore(%arg13 : memref<!tpu.dma_semaphore, #tpu.memory_space<semaphore_mem>>)
    %dma_start3A_25 = arith.constant 128 : i32
    %dma_start3A_26 = arith.constant 0 : i32
    %dma_start3A_27 = tpu.memref_slice %arg7[%dma_start3A_25, %dma_start3A_26] : memref<768x32xf32, #tpu.memory_space<vmem>> -> memref<128x32xf32, #tpu.memory_space<vmem>>
    %dma_start3A_28 = arith.constant 128 : i32
    %dma_start3A_29 = tpu.memref_slice %arg5[%dma_start3A_28] : memref<768xi32, #tpu.memory_space<vmem>> -> memref<128xi32, #tpu.memory_space<vmem>>
    %dma_start3A_30 = arith.constant 0 : i32
    %dma_start3A_31 = arith.constant 0 : i32
    %dma_start3A_32 = tpu.memref_slice %arg3[%dma_start3A_30, %dma_start3A_31] : memref<16384x32xf32, #tpu.memory_space<hbm>> -> memref<16384x32xf32, #tpu.memory_space<hbm>>
    tpu.enqueue_indirect_dma source(%dma_start3A_32 : memref<16384x32xf32, #tpu.memory_space<hbm>>) target(%dma_start3A_27 : memref<128x32xf32, #tpu.memory_space<vmem>>) offsets(%dma_start3A_29 : memref<128xi32, #tpu.memory_space<vmem>>) semaphore(%arg13 : memref<!tpu.dma_semaphore, #tpu.memory_space<semaphore_mem>>)
    %dma_start3A_33 = arith.constant 256 : i32
    %dma_start3A_34 = arith.constant 0 : i32
    %dma_start3A_35 = tpu.memref_slice %arg7[%dma_start3A_33, %dma_start3A_34] : memref<768x32xf32, #tpu.memory_space<vmem>> -> memref<128x32xf32, #tpu.memory_space<vmem>>
    %dma_start3A_36 = arith.constant 256 : i32
    %dma_start3A_37 = tpu.memref_slice %arg5[%dma_start3A_36] : memref<768xi32, #tpu.memory_space<vmem>> -> memref<128xi32, #tpu.memory_space<vmem>>
    %dma_start3A_38 = arith.constant 0 : i32
    %dma_start3A_39 = arith.constant 0 : i32
    %dma_start3A_40 = tpu.memref_slice %arg3[%dma_start3A_38, %dma_start3A_39] : memref<16384x32xf32, #tpu.memory_space<hbm>> -> memref<16384x32xf32, #tpu.memory_space<hbm>>
    tpu.enqueue_indirect_dma source(%dma_start3A_40 : memref<16384x32xf32, #tpu.memory_space<hbm>>) target(%dma_start3A_35 : memref<128x32xf32, #tpu.memory_space<vmem>>) offsets(%dma_start3A_37 : memref<128xi32, #tpu.memory_space<vmem>>) semaphore(%arg13 : memref<!tpu.dma_semaphore, #tpu.memory_space<semaphore_mem>>)
    %dma_start3A_41 = arith.constant 384 : i32
    %dma_start3A_42 = arith.constant 0 : i32
    %dma_start3A_43 = tpu.memref_slice %arg7[%dma_start3A_41, %dma_start3A_42] : memref<768x32xf32, #tpu.memory_space<vmem>> -> memref<128x32xf32, #tpu.memory_space<vmem>>
    %dma_start3A_44 = arith.constant 384 : i32
    %dma_start3A_45 = tpu.memref_slice %arg5[%dma_start3A_44] : memref<768xi32, #tpu.memory_space<vmem>> -> memref<128xi32, #tpu.memory_space<vmem>>
    %dma_start3A_46 = arith.constant 0 : i32
    %dma_start3A_47 = arith.constant 0 : i32
    %dma_start3A_48 = tpu.memref_slice %arg3[%dma_start3A_46, %dma_start3A_47] : memref<16384x32xf32, #tpu.memory_space<hbm>> -> memref<16384x32xf32, #tpu.memory_space<hbm>>
    tpu.enqueue_indirect_dma source(%dma_start3A_48 : memref<16384x32xf32, #tpu.memory_space<hbm>>) target(%dma_start3A_43 : memref<128x32xf32, #tpu.memory_space<vmem>>) offsets(%dma_start3A_45 : memref<128xi32, #tpu.memory_space<vmem>>) semaphore(%arg13 : memref<!tpu.dma_semaphore, #tpu.memory_space<semaphore_mem>>)
    %dma_start3A_49 = arith.constant 512 : i32
    %dma_start3A_50 = arith.constant 0 : i32
    %dma_start3A_51 = tpu.memref_slice %arg7[%dma_start3A_49, %dma_start3A_50] : memref<768x32xf32, #tpu.memory_space<vmem>> -> memref<128x32xf32, #tpu.memory_space<vmem>>
    %dma_start3A_52 = arith.constant 512 : i32
    %dma_start3A_53 = tpu.memref_slice %arg5[%dma_start3A_52] : memref<768xi32, #tpu.memory_space<vmem>> -> memref<128xi32, #tpu.memory_space<vmem>>
    %dma_start3A_54 = arith.constant 0 : i32
    %dma_start3A_55 = arith.constant 0 : i32
    %dma_start3A_56 = tpu.memref_slice %arg3[%dma_start3A_54, %dma_start3A_55] : memref<16384x32xf32, #tpu.memory_space<hbm>> -> memref<16384x32xf32, #tpu.memory_space<hbm>>
    tpu.enqueue_indirect_dma source(%dma_start3A_56 : memref<16384x32xf32, #tpu.memory_space<hbm>>) target(%dma_start3A_51 : memref<128x32xf32, #tpu.memory_space<vmem>>) offsets(%dma_start3A_53 : memref<128xi32, #tpu.memory_space<vmem>>) semaphore(%arg13 : memref<!tpu.dma_semaphore, #tpu.memory_space<semaphore_mem>>)
    %dma_start3A_57 = arith.constant 640 : i32
    %dma_start3A_58 = arith.constant 0 : i32
    %dma_start3A_59 = tpu.memref_slice %arg7[%dma_start3A_57, %dma_start3A_58] : memref<768x32xf32, #tpu.memory_space<vmem>> -> memref<128x32xf32, #tpu.memory_space<vmem>>
    %dma_start3A_60 = arith.constant 640 : i32
    %dma_start3A_61 = tpu.memref_slice %arg5[%dma_start3A_60] : memref<768xi32, #tpu.memory_space<vmem>> -> memref<128xi32, #tpu.memory_space<vmem>>
    %dma_start3A_62 = arith.constant 0 : i32
    %dma_start3A_63 = arith.constant 0 : i32
    %dma_start3A_64 = tpu.memref_slice %arg3[%dma_start3A_62, %dma_start3A_63] : memref<16384x32xf32, #tpu.memory_space<hbm>> -> memref<16384x32xf32, #tpu.memory_space<hbm>>
    tpu.enqueue_indirect_dma source(%dma_start3A_64 : memref<16384x32xf32, #tpu.memory_space<hbm>>) target(%dma_start3A_59 : memref<128x32xf32, #tpu.memory_space<vmem>>) offsets(%dma_start3A_61 : memref<128xi32, #tpu.memory_space<vmem>>) semaphore(%arg13 : memref<!tpu.dma_semaphore, #tpu.memory_space<semaphore_mem>>)
    %dma_wait3A_65 = tpu.memref_slice %arg2[%mul3A_13] : memref<98304xi32, #tpu.memory_space<hbm>> -> memref<768xi32, #tpu.memory_space<hbm>>
    %dma_wait3A_66 = tpu.memref_slice %arg2[%mul3A_13] : memref<98304xi32, #tpu.memory_space<hbm>> -> memref<768xi32, #tpu.memory_space<hbm>>
    tpu.wait_dma2 semaphore(%arg12 : memref<!tpu.dma_semaphore, #tpu.memory_space<semaphore_mem>>) src(%dma_wait3A_66 : memref<768xi32, #tpu.memory_space<hbm>>) dst(%arg6 : memref<768xi32, #tpu.memory_space<vmem>>)
    %dma_start3A_67 = arith.constant 0 : i32
    %dma_start3A_68 = arith.constant 0 : i32
    %dma_start3A_69 = tpu.memref_slice %arg8[%dma_start3A_67, %dma_start3A_68] : memref<768x32xf32, #tpu.memory_space<vmem>> -> memref<128x32xf32, #tpu.memory_space<vmem>>
    %dma_start3A_70 = arith.constant 0 : i32
    %dma_start3A_71 = tpu.memref_slice %arg6[%dma_start3A_70] : memref<768xi32, #tpu.memory_space<vmem>> -> memref<128xi32, #tpu.memory_space<vmem>>
    %dma_start3A_72 = arith.constant 0 : i32
    %dma_start3A_73 = arith.constant 0 : i32
    %dma_start3A_74 = tpu.memref_slice %arg3[%dma_start3A_72, %dma_start3A_73] : memref<16384x32xf32, #tpu.memory_space<hbm>> -> memref<16384x32xf32, #tpu.memory_space<hbm>>
    tpu.enqueue_indirect_dma source(%dma_start3A_74 : memref<16384x32xf32, #tpu.memory_space<hbm>>) target(%dma_start3A_69 : memref<128x32xf32, #tpu.memory_space<vmem>>) offsets(%dma_start3A_71 : memref<128xi32, #tpu.memory_space<vmem>>) semaphore(%arg14 : memref<!tpu.dma_semaphore, #tpu.memory_space<semaphore_mem>>)
    %dma_start3A_75 = arith.constant 128 : i32
    %dma_start3A_76 = arith.constant 0 : i32
    %dma_start3A_77 = tpu.memref_slice %arg8[%dma_start3A_75, %dma_start3A_76] : memref<768x32xf32, #tpu.memory_space<vmem>> -> memref<128x32xf32, #tpu.memory_space<vmem>>
    %dma_start3A_78 = arith.constant 128 : i32
    %dma_start3A_79 = tpu.memref_slice %arg6[%dma_start3A_78] : memref<768xi32, #tpu.memory_space<vmem>> -> memref<128xi32, #tpu.memory_space<vmem>>
    %dma_start3A_80 = arith.constant 0 : i32
    %dma_start3A_81 = arith.constant 0 : i32
    %dma_start3A_82 = tpu.memref_slice %arg3[%dma_start3A_80, %dma_start3A_81] : memref<16384x32xf32, #tpu.memory_space<hbm>> -> memref<16384x32xf32, #tpu.memory_space<hbm>>
    tpu.enqueue_indirect_dma source(%dma_start3A_82 : memref<16384x32xf32, #tpu.memory_space<hbm>>) target(%dma_start3A_77 : memref<128x32xf32, #tpu.memory_space<vmem>>) offsets(%dma_start3A_79 : memref<128xi32, #tpu.memory_space<vmem>>) semaphore(%arg14 : memref<!tpu.dma_semaphore, #tpu.memory_space<semaphore_mem>>)
    %dma_start3A_83 = arith.constant 256 : i32
    %dma_start3A_84 = arith.constant 0 : i32
    %dma_start3A_85 = tpu.memref_slice %arg8[%dma_start3A_83, %dma_start3A_84] : memref<768x32xf32, #tpu.memory_space<vmem>> -> memref<128x32xf32, #tpu.memory_space<vmem>>
    %dma_start3A_86 = arith.constant 256 : i32
    %dma_start3A_87 = tpu.memref_slice %arg6[%dma_start3A_86] : memref<768xi32, #tpu.memory_space<vmem>> -> memref<128xi32, #tpu.memory_space<vmem>>
    %dma_start3A_88 = arith.constant 0 : i32
    %dma_start3A_89 = arith.constant 0 : i32
    %dma_start3A_90 = tpu.memref_slice %arg3[%dma_start3A_88, %dma_start3A_89] : memref<16384x32xf32, #tpu.memory_space<hbm>> -> memref<16384x32xf32, #tpu.memory_space<hbm>>
    tpu.enqueue_indirect_dma source(%dma_start3A_90 : memref<16384x32xf32, #tpu.memory_space<hbm>>) target(%dma_start3A_85 : memref<128x32xf32, #tpu.memory_space<vmem>>) offsets(%dma_start3A_87 : memref<128xi32, #tpu.memory_space<vmem>>) semaphore(%arg14 : memref<!tpu.dma_semaphore, #tpu.memory_space<semaphore_mem>>)
    %dma_start3A_91 = arith.constant 384 : i32
    %dma_start3A_92 = arith.constant 0 : i32
    %dma_start3A_93 = tpu.memref_slice %arg8[%dma_start3A_91, %dma_start3A_92] : memref<768x32xf32, #tpu.memory_space<vmem>> -> memref<128x32xf32, #tpu.memory_space<vmem>>
    %dma_start3A_94 = arith.constant 384 : i32
    %dma_start3A_95 = tpu.memref_slice %arg6[%dma_start3A_94] : memref<768xi32, #tpu.memory_space<vmem>> -> memref<128xi32, #tpu.memory_space<vmem>>
    %dma_start3A_96 = arith.constant 0 : i32
    %dma_start3A_97 = arith.constant 0 : i32
    %dma_start3A_98 = tpu.memref_slice %arg3[%dma_start3A_96, %dma_start3A_97] : memref<16384x32xf32, #tpu.memory_space<hbm>> -> memref<16384x32xf32, #tpu.memory_space<hbm>>
    tpu.enqueue_indirect_dma source(%dma_start3A_98 : memref<16384x32xf32, #tpu.memory_space<hbm>>) target(%dma_start3A_93 : memref<128x32xf32, #tpu.memory_space<vmem>>) offsets(%dma_start3A_95 : memref<128xi32, #tpu.memory_space<vmem>>) semaphore(%arg14 : memref<!tpu.dma_semaphore, #tpu.memory_space<semaphore_mem>>)
    %dma_start3A_99 = arith.constant 512 : i32
    %dma_start3A_100 = arith.constant 0 : i32
    %dma_start3A_101 = tpu.memref_slice %arg8[%dma_start3A_99, %dma_start3A_100] : memref<768x32xf32, #tpu.memory_space<vmem>> -> memref<128x32xf32, #tpu.memory_space<vmem>>
    %dma_start3A_102 = arith.constant 512 : i32
    %dma_start3A_103 = tpu.memref_slice %arg6[%dma_start3A_102] : memref<768xi32, #tpu.memory_space<vmem>> -> memref<128xi32, #tpu.memory_space<vmem>>
    %dma_start3A_104 = arith.constant 0 : i32
    %dma_start3A_105 = arith.constant 0 : i32
    %dma_start3A_106 = tpu.memref_slice %arg3[%dma_start3A_104, %dma_start3A_105] : memref<16384x32xf32, #tpu.memory_space<hbm>> -> memref<16384x32xf32, #tpu.memory_space<hbm>>
    tpu.enqueue_indirect_dma source(%dma_start3A_106 : memref<16384x32xf32, #tpu.memory_space<hbm>>) target(%dma_start3A_101 : memref<128x32xf32, #tpu.memory_space<vmem>>) offsets(%dma_start3A_103 : memref<128xi32, #tpu.memory_space<vmem>>) semaphore(%arg14 : memref<!tpu.dma_semaphore, #tpu.memory_space<semaphore_mem>>)
    %dma_start3A_107 = arith.constant 640 : i32
    %dma_start3A_108 = arith.constant 0 : i32
    %dma_start3A_109 = tpu.memref_slice %arg8[%dma_start3A_107, %dma_start3A_108] : memref<768x32xf32, #tpu.memory_space<vmem>> -> memref<128x32xf32, #tpu.memory_space<vmem>>
    %dma_start3A_110 = arith.constant 640 : i32
    %dma_start3A_111 = tpu.memref_slice %arg6[%dma_start3A_110] : memref<768xi32, #tpu.memory_space<vmem>> -> memref<128xi32, #tpu.memory_space<vmem>>
    %dma_start3A_112 = arith.constant 0 : i32
    %dma_start3A_113 = arith.constant 0 : i32
    %dma_start3A_114 = tpu.memref_slice %arg3[%dma_start3A_112, %dma_start3A_113] : memref<16384x32xf32, #tpu.memory_space<hbm>> -> memref<16384x32xf32, #tpu.memory_space<hbm>>
    tpu.enqueue_indirect_dma source(%dma_start3A_114 : memref<16384x32xf32, #tpu.memory_space<hbm>>) target(%dma_start3A_109 : memref<128x32xf32, #tpu.memory_space<vmem>>) offsets(%dma_start3A_111 : memref<128xi32, #tpu.memory_space<vmem>>) semaphore(%arg14 : memref<!tpu.dma_semaphore, #tpu.memory_space<semaphore_mem>>)
    %dma_wait3A_115 = arith.constant 0 : i32
    %dma_wait3A_116 = arith.constant 0 : i32
    %dma_wait3A_117 = tpu.memref_slice %arg7[%dma_wait3A_115, %dma_wait3A_116] : memref<768x32xf32, #tpu.memory_space<vmem>> -> memref<128x32xf32, #tpu.memory_space<vmem>>
    %dma_wait3A_118 = arith.constant 0 : i32
    %dma_wait3A_119 = tpu.memref_slice %arg5[%dma_wait3A_118] : memref<768xi32, #tpu.memory_space<vmem>> -> memref<128xi32, #tpu.memory_space<vmem>>
    %dma_wait3A_120 = arith.constant 0 : i32
    %dma_wait3A_121 = arith.constant 0 : i32
    %dma_wait3A_122 = tpu.memref_slice %arg3[%dma_wait3A_120, %dma_wait3A_121] : memref<16384x32xf32, #tpu.memory_space<hbm>> -> memref<16384x32xf32, #tpu.memory_space<hbm>>
    tpu.wait_indirect_dma semaphore(%arg13 : memref<!tpu.dma_semaphore, #tpu.memory_space<semaphore_mem>>) src(%dma_wait3A_122 : memref<16384x32xf32, #tpu.memory_space<hbm>>) dst(%dma_wait3A_117 : memref<128x32xf32, #tpu.memory_space<vmem>>)
    %dma_wait3A_123 = arith.constant 128 : i32
    %dma_wait3A_124 = arith.constant 0 : i32
    %dma_wait3A_125 = tpu.memref_slice %arg7[%dma_wait3A_123, %dma_wait3A_124] : memref<768x32xf32, #tpu.memory_space<vmem>> -> memref<128x32xf32, #tpu.memory_space<vmem>>
    %dma_wait3A_126 = arith.constant 128 : i32
    %dma_wait3A_127 = tpu.memref_slice %arg5[%dma_wait3A_126] : memref<768xi32, #tpu.memory_space<vmem>> -> memref<128xi32, #tpu.memory_space<vmem>>
    %dma_wait3A_128 = arith.constant 0 : i32
    %dma_wait3A_129 = arith.constant 0 : i32
    %dma_wait3A_130 = tpu.memref_slice %arg3[%dma_wait3A_128, %dma_wait3A_129] : memref<16384x32xf32, #tpu.memory_space<hbm>> -> memref<16384x32xf32, #tpu.memory_space<hbm>>
    tpu.wait_indirect_dma semaphore(%arg13 : memref<!tpu.dma_semaphore, #tpu.memory_space<semaphore_mem>>) src(%dma_wait3A_130 : memref<16384x32xf32, #tpu.memory_space<hbm>>) dst(%dma_wait3A_125 : memref<128x32xf32, #tpu.memory_space<vmem>>)
    %dma_wait3A_131 = arith.constant 256 : i32
    %dma_wait3A_132 = arith.constant 0 : i32
    %dma_wait3A_133 = tpu.memref_slice %arg7[%dma_wait3A_131, %dma_wait3A_132] : memref<768x32xf32, #tpu.memory_space<vmem>> -> memref<128x32xf32, #tpu.memory_space<vmem>>
    %dma_wait3A_134 = arith.constant 256 : i32
    %dma_wait3A_135 = tpu.memref_slice %arg5[%dma_wait3A_134] : memref<768xi32, #tpu.memory_space<vmem>> -> memref<128xi32, #tpu.memory_space<vmem>>
    %dma_wait3A_136 = arith.constant 0 : i32
    %dma_wait3A_137 = arith.constant 0 : i32
    %dma_wait3A_138 = tpu.memref_slice %arg3[%dma_wait3A_136, %dma_wait3A_137] : memref<16384x32xf32, #tpu.memory_space<hbm>> -> memref<16384x32xf32, #tpu.memory_space<hbm>>
    tpu.wait_indirect_dma semaphore(%arg13 : memref<!tpu.dma_semaphore, #tpu.memory_space<semaphore_mem>>) src(%dma_wait3A_138 : memref<16384x32xf32, #tpu.memory_space<hbm>>) dst(%dma_wait3A_133 : memref<128x32xf32, #tpu.memory_space<vmem>>)
    %dma_wait3A_139 = arith.constant 384 : i32
    %dma_wait3A_140 = arith.constant 0 : i32
    %dma_wait3A_141 = tpu.memref_slice %arg7[%dma_wait3A_139, %dma_wait3A_140] : memref<768x32xf32, #tpu.memory_space<vmem>> -> memref<128x32xf32, #tpu.memory_space<vmem>>
    %dma_wait3A_142 = arith.constant 384 : i32
    %dma_wait3A_143 = tpu.memref_slice %arg5[%dma_wait3A_142] : memref<768xi32, #tpu.memory_space<vmem>> -> memref<128xi32, #tpu.memory_space<vmem>>
    %dma_wait3A_144 = arith.constant 0 : i32
    %dma_wait3A_145 = arith.constant 0 : i32
    %dma_wait3A_146 = tpu.memref_slice %arg3[%dma_wait3A_144, %dma_wait3A_145] : memref<16384x32xf32, #tpu.memory_space<hbm>> -> memref<16384x32xf32, #tpu.memory_space<hbm>>
    tpu.wait_indirect_dma semaphore(%arg13 : memref<!tpu.dma_semaphore, #tpu.memory_space<semaphore_mem>>) src(%dma_wait3A_146 : memref<16384x32xf32, #tpu.memory_space<hbm>>) dst(%dma_wait3A_141 : memref<128x32xf32, #tpu.memory_space<vmem>>)
    %dma_wait3A_147 = arith.constant 512 : i32
    %dma_wait3A_148 = arith.constant 0 : i32
    %dma_wait3A_149 = tpu.memref_slice %arg7[%dma_wait3A_147, %dma_wait3A_148] : memref<768x32xf32, #tpu.memory_space<vmem>> -> memref<128x32xf32, #tpu.memory_space<vmem>>
    %dma_wait3A_150 = arith.constant 512 : i32
    %dma_wait3A_151 = tpu.memref_slice %arg5[%dma_wait3A_150] : memref<768xi32, #tpu.memory_space<vmem>> -> memref<128xi32, #tpu.memory_space<vmem>>
    %dma_wait3A_152 = arith.constant 0 : i32
    %dma_wait3A_153 = arith.constant 0 : i32
    %dma_wait3A_154 = tpu.memref_slice %arg3[%dma_wait3A_152, %dma_wait3A_153] : memref<16384x32xf32, #tpu.memory_space<hbm>> -> memref<16384x32xf32, #tpu.memory_space<hbm>>
    tpu.wait_indirect_dma semaphore(%arg13 : memref<!tpu.dma_semaphore, #tpu.memory_space<semaphore_mem>>) src(%dma_wait3A_154 : memref<16384x32xf32, #tpu.memory_space<hbm>>) dst(%dma_wait3A_149 : memref<128x32xf32, #tpu.memory_space<vmem>>)
    %dma_wait3A_155 = arith.constant 640 : i32
    %dma_wait3A_156 = arith.constant 0 : i32
    %dma_wait3A_157 = tpu.memref_slice %arg7[%dma_wait3A_155, %dma_wait3A_156] : memref<768x32xf32, #tpu.memory_space<vmem>> -> memref<128x32xf32, #tpu.memory_space<vmem>>
    %dma_wait3A_158 = arith.constant 640 : i32
    %dma_wait3A_159 = tpu.memref_slice %arg5[%dma_wait3A_158] : memref<768xi32, #tpu.memory_space<vmem>> -> memref<128xi32, #tpu.memory_space<vmem>>
    %dma_wait3A_160 = arith.constant 0 : i32
    %dma_wait3A_161 = arith.constant 0 : i32
    %dma_wait3A_162 = tpu.memref_slice %arg3[%dma_wait3A_160, %dma_wait3A_161] : memref<16384x32xf32, #tpu.memory_space<hbm>> -> memref<16384x32xf32, #tpu.memory_space<hbm>>
    tpu.wait_indirect_dma semaphore(%arg13 : memref<!tpu.dma_semaphore, #tpu.memory_space<semaphore_mem>>) src(%dma_wait3A_162 : memref<16384x32xf32, #tpu.memory_space<hbm>>) dst(%dma_wait3A_157 : memref<128x32xf32, #tpu.memory_space<vmem>>)
    %mul3A_163 = arith.constant 512 : i32
    %mul3A_164 = arith.muli %add3A, %mul3A_163 : i32
    %add3A_165 = arith.constant 256 : i32
    %add3A_166 = arith.addi %mul3A_164, %add3A_165 : i32
    %mul3A_167 = arith.constant 6 : i32
    %mul3A_168 = arith.muli %add3A_166, %mul3A_167 : i32
    %dma_start3A_169 = tpu.memref_slice %arg2[%mul3A_168] : memref<98304xi32, #tpu.memory_space<hbm>> -> memref<768xi32, #tpu.memory_space<hbm>>
    %dma_start3A_170 = tpu.memref_slice %arg2[%mul3A_168] : memref<98304xi32, #tpu.memory_space<hbm>> -> memref<768xi32, #tpu.memory_space<hbm>>
    tpu.enqueue_dma source(%dma_start3A_170 : memref<768xi32, #tpu.memory_space<hbm>>) target(%arg5 : memref<768xi32, #tpu.memory_space<vmem>>) target_semaphore(%arg11 : memref<!tpu.dma_semaphore, #tpu.memory_space<semaphore_mem>>)
    %parallel_loop3A = arith.constant 0 : i32
    %parallel_loop3A_171 = arith.constant 128 : i32
    %parallel_loop3A_172 = arith.constant 1 : i32
    scf.for %parallel_loop3A_482 = %parallel_loop3A to %parallel_loop3A_171 step %parallel_loop3A_172  : i32 {
      %parallel_loop3A_483 = arith.constant 6 : i32
      %parallel_loop3A_484 = arith.muli %parallel_loop3A_482, %parallel_loop3A_483 : i32
      %parallel_loop3A_485 = arith.index_cast %parallel_loop3A_484 : i32 to index
      %parallel_loop3A_486 = arith.constant 0 : index
      %parallel_loop3A_487 = tpu.vector_load %arg7[%parallel_loop3A_485, %parallel_loop3A_486] {strides = array<i32>} : memref<768x32xf32, #tpu.memory_space<vmem>>, vector<1x16xf32>,
      %parallel_loop3A_488 = vector.shape_cast %parallel_loop3A_487 : vector<1x16xf32> to vector<16xf32>
      %parallel_loop3A_489 = arith.constant 1 : i32
      %parallel_loop3A_490 = arith.addi %parallel_loop3A_484, %parallel_loop3A_489 : i32
      %parallel_loop3A_491 = arith.index_cast %parallel_loop3A_490 : i32 to index
      %parallel_loop3A_492 = arith.constant 0 : index
      %parallel_loop3A_493 = tpu.vector_load %arg7[%parallel_loop3A_491, %parallel_loop3A_492] {strides = array<i32>} : memref<768x32xf32, #tpu.memory_space<vmem>>, vector<1x16xf32>,
      %parallel_loop3A_494 = vector.shape_cast %parallel_loop3A_493 : vector<1x16xf32> to vector<16xf32>
      %parallel_loop3A_495 = arith.addf %parallel_loop3A_488, %parallel_loop3A_494 : vector<16xf32>
      %parallel_loop3A_496 = arith.constant 2 : i32
      %parallel_loop3A_497 = arith.addi %parallel_loop3A_484, %parallel_loop3A_496 : i32
      %parallel_loop3A_498 = arith.index_cast %parallel_loop3A_497 : i32 to index
      %parallel_loop3A_499 = arith.constant 0 : index
      %parallel_loop3A_500 = tpu.vector_load %arg7[%parallel_loop3A_498, %parallel_loop3A_499] {strides = array<i32>} : memref<768x32xf32, #tpu.memory_space<vmem>>, vector<1x16xf32>,
      %parallel_loop3A_501 = vector.shape_cast %parallel_loop3A_500 : vector<1x16xf32> to vector<16xf32>
      %parallel_loop3A_502 = arith.constant 3 : i32
      %parallel_loop3A_503 = arith.addi %parallel_loop3A_484, %parallel_loop3A_502 : i32
      %parallel_loop3A_504 = arith.index_cast %parallel_loop3A_503 : i32 to index
      %parallel_loop3A_505 = arith.constant 0 : index
      %parallel_loop3A_506 = tpu.vector_load %arg7[%parallel_loop3A_504, %parallel_loop3A_505] {strides = array<i32>} : memref<768x32xf32, #tpu.memory_space<vmem>>, vector<1x16xf32>,
      %parallel_loop3A_507 = vector.shape_cast %parallel_loop3A_506 : vector<1x16xf32> to vector<16xf32>
      %parallel_loop3A_508 = arith.addf %parallel_loop3A_501, %parallel_loop3A_507 : vector<16xf32>
      %parallel_loop3A_509 = arith.addf %parallel_loop3A_495, %parallel_loop3A_508 : vector<16xf32>
      %parallel_loop3A_510 = arith.constant 4 : i32
      %parallel_loop3A_511 = arith.addi %parallel_loop3A_484, %parallel_loop3A_510 : i32
      %parallel_loop3A_512 = arith.index_cast %parallel_loop3A_511 : i32 to index
      %parallel_loop3A_513 = arith.constant 0 : index
      %parallel_loop3A_514 = tpu.vector_load %arg7[%parallel_loop3A_512, %parallel_loop3A_513] {strides = array<i32>} : memref<768x32xf32, #tpu.memory_space<vmem>>, vector<1x16xf32>,
      %parallel_loop3A_515 = vector.shape_cast %parallel_loop3A_514 : vector<1x16xf32> to vector<16xf32>
      %parallel_loop3A_516 = arith.constant 5 : i32
      %parallel_loop3A_517 = arith.addi %parallel_loop3A_484, %parallel_loop3A_516 : i32
      %parallel_loop3A_518 = arith.index_cast %parallel_loop3A_517 : i32 to index
      %parallel_loop3A_519 = arith.constant 0 : index
      %parallel_loop3A_520 = tpu.vector_load %arg7[%parallel_loop3A_518, %parallel_loop3A_519] {strides = array<i32>} : memref<768x32xf32, #tpu.memory_space<vmem>>, vector<1x16xf32>,
      %parallel_loop3A_521 = vector.shape_cast %parallel_loop3A_520 : vector<1x16xf32> to vector<16xf32>
      %parallel_loop3A_522 = arith.addf %parallel_loop3A_515, %parallel_loop3A_521 : vector<16xf32>
      %parallel_loop3A_523 = arith.addf %parallel_loop3A_509, %parallel_loop3A_522 : vector<16xf32>
      %parallel_loop3A_524 = arith.index_cast %parallel_loop3A_482 : i32 to index
      %parallel_loop3A_525 = arith.constant 0 : index
      %parallel_loop3A_526 = tpu.vector_load %arg9[%parallel_loop3A_524, %parallel_loop3A_525] {strides = array<i32>} : memref<128x32xf32, #tpu.memory_space<vmem>>, vector<1x16xf32>,
      %parallel_loop3A_527 = vector.shape_cast %parallel_loop3A_526 : vector<1x16xf32> to vector<16xf32>
      %parallel_loop3A_528 = vector.shape_cast %parallel_loop3A_523 : vector<16xf32> to vector<1x16xf32>
      tpu.vector_store %arg9[%parallel_loop3A_524, %parallel_loop3A_525], %parallel_loop3A_528 {strides = array<i32>} : memref<128x32xf32, #tpu.memory_space<vmem>>, vector<1x16xf32>,
      %parallel_loop3A_529 = arith.index_cast %parallel_loop3A_484 : i32 to index
      %parallel_loop3A_530 = arith.constant 16 : index
      %parallel_loop3A_531 = tpu.vector_load %arg7[%parallel_loop3A_529, %parallel_loop3A_530] {strides = array<i32>} : memref<768x32xf32, #tpu.memory_space<vmem>>, vector<1x16xf32>,
      %parallel_loop3A_532 = vector.shape_cast %parallel_loop3A_531 : vector<1x16xf32> to vector<16xf32>
      %parallel_loop3A_533 = arith.constant 1 : i32
      %parallel_loop3A_534 = arith.addi %parallel_loop3A_484, %parallel_loop3A_533 : i32
      %parallel_loop3A_535 = arith.index_cast %parallel_loop3A_534 : i32 to index
      %parallel_loop3A_536 = arith.constant 16 : index
      %parallel_loop3A_537 = tpu.vector_load %arg7[%parallel_loop3A_535, %parallel_loop3A_536] {strides = array<i32>} : memref<768x32xf32, #tpu.memory_space<vmem>>, vector<1x16xf32>,
      %parallel_loop3A_538 = vector.shape_cast %parallel_loop3A_537 : vector<1x16xf32> to vector<16xf32>
      %parallel_loop3A_539 = arith.addf %parallel_loop3A_532, %parallel_loop3A_538 : vector<16xf32>
      %parallel_loop3A_540 = arith.constant 2 : i32
      %parallel_loop3A_541 = arith.addi %parallel_loop3A_484, %parallel_loop3A_540 : i32
      %parallel_loop3A_542 = arith.index_cast %parallel_loop3A_541 : i32 to index
      %parallel_loop3A_543 = arith.constant 16 : index
      %parallel_loop3A_544 = tpu.vector_load %arg7[%parallel_loop3A_542, %parallel_loop3A_543] {strides = array<i32>} : memref<768x32xf32, #tpu.memory_space<vmem>>, vector<1x16xf32>,
      %parallel_loop3A_545 = vector.shape_cast %parallel_loop3A_544 : vector<1x16xf32> to vector<16xf32>
      %parallel_loop3A_546 = arith.constant 3 : i32
      %parallel_loop3A_547 = arith.addi %parallel_loop3A_484, %parallel_loop3A_546 : i32
      %parallel_loop3A_548 = arith.index_cast %parallel_loop3A_547 : i32 to index
      %parallel_loop3A_549 = arith.constant 16 : index
      %parallel_loop3A_550 = tpu.vector_load %arg7[%parallel_loop3A_548, %parallel_loop3A_549] {strides = array<i32>} : memref<768x32xf32, #tpu.memory_space<vmem>>, vector<1x16xf32>,
      %parallel_loop3A_551 = vector.shape_cast %parallel_loop3A_550 : vector<1x16xf32> to vector<16xf32>
      %parallel_loop3A_552 = arith.addf %parallel_loop3A_545, %parallel_loop3A_551 : vector<16xf32>
      %parallel_loop3A_553 = arith.addf %parallel_loop3A_539, %parallel_loop3A_552 : vector<16xf32>
      %parallel_loop3A_554 = arith.constant 4 : i32
      %parallel_loop3A_555 = arith.addi %parallel_loop3A_484, %parallel_loop3A_554 : i32
      %parallel_loop3A_556 = arith.index_cast %parallel_loop3A_555 : i32 to index
      %parallel_loop3A_557 = arith.constant 16 : index
      %parallel_loop3A_558 = tpu.vector_load %arg7[%parallel_loop3A_556, %parallel_loop3A_557] {strides = array<i32>} : memref<768x32xf32, #tpu.memory_space<vmem>>, vector<1x16xf32>,
      %parallel_loop3A_559 = vector.shape_cast %parallel_loop3A_558 : vector<1x16xf32> to vector<16xf32>
      %parallel_loop3A_560 = arith.constant 5 : i32
      %parallel_loop3A_561 = arith.addi %parallel_loop3A_484, %parallel_loop3A_560 : i32
      %parallel_loop3A_562 = arith.index_cast %parallel_loop3A_561 : i32 to index
      %parallel_loop3A_563 = arith.constant 16 : index
      %parallel_loop3A_564 = tpu.vector_load %arg7[%parallel_loop3A_562, %parallel_loop3A_563] {strides = array<i32>} : memref<768x32xf32, #tpu.memory_space<vmem>>, vector<1x16xf32>,
      %parallel_loop3A_565 = vector.shape_cast %parallel_loop3A_564 : vector<1x16xf32> to vector<16xf32>
      %parallel_loop3A_566 = arith.addf %parallel_loop3A_559, %parallel_loop3A_565 : vector<16xf32>
      %parallel_loop3A_567 = arith.addf %parallel_loop3A_553, %parallel_loop3A_566 : vector<16xf32>
      %parallel_loop3A_568 = arith.index_cast %parallel_loop3A_482 : i32 to index
      %parallel_loop3A_569 = arith.constant 16 : index
      %parallel_loop3A_570 = tpu.vector_load %arg9[%parallel_loop3A_568, %parallel_loop3A_569] {strides = array<i32>} : memref<128x32xf32, #tpu.memory_space<vmem>>, vector<1x16xf32>,
      %parallel_loop3A_571 = vector.shape_cast %parallel_loop3A_570 : vector<1x16xf32> to vector<16xf32>
      %parallel_loop3A_572 = vector.shape_cast %parallel_loop3A_567 : vector<16xf32> to vector<1x16xf32>
      tpu.vector_store %arg9[%parallel_loop3A_568, %parallel_loop3A_569], %parallel_loop3A_572 {strides = array<i32>} : memref<128x32xf32, #tpu.memory_space<vmem>>, vector<1x16xf32>,
    } {sc.loop_unroll_factor = 4 : i64, sc.parallel_access}
    %mul3A_173 = arith.constant 512 : i32
    %mul3A_174 = arith.muli %add3A, %mul3A_173 : i32
    %add3A_175 = arith.constant 0 : i32
    %add3A_176 = arith.addi %mul3A_174, %add3A_175 : i32
    %dma_start3A_177 = arith.constant 0 : i32
    %dma_start3A_178 = tpu.memref_slice %arg4[%add3A_176, %dma_start3A_177] : memref<16384x32xf32, #tpu.memory_space<hbm>> -> memref<128x32xf32, #tpu.memory_space<hbm>>
    %dma_start3A_179 = arith.constant 0 : i32
    %dma_start3A_180 = tpu.memref_slice %arg4[%add3A_176, %dma_start3A_179] : memref<16384x32xf32, #tpu.memory_space<hbm>> -> memref<128x32xf32, #tpu.memory_space<hbm>>
    tpu.enqueue_dma source(%arg9 : memref<128x32xf32, #tpu.memory_space<vmem>>) target(%dma_start3A_180 : memref<128x32xf32, #tpu.memory_space<hbm>>) target_semaphore(%arg15 : memref<!tpu.dma_semaphore, #tpu.memory_space<semaphore_mem>>)
    %dma_wait3A_181 = tpu.memref_slice %arg2[%mul3A_168] : memref<98304xi32, #tpu.memory_space<hbm>> -> memref<768xi32, #tpu.memory_space<hbm>>
    %dma_wait3A_182 = tpu.memref_slice %arg2[%mul3A_168] : memref<98304xi32, #tpu.memory_space<hbm>> -> memref<768xi32, #tpu.memory_space<hbm>>
    tpu.wait_dma2 semaphore(%arg11 : memref<!tpu.dma_semaphore, #tpu.memory_space<semaphore_mem>>) src(%dma_wait3A_182 : memref<768xi32, #tpu.memory_space<hbm>>) dst(%arg5 : memref<768xi32, #tpu.memory_space<vmem>>)
    %dma_start3A_183 = arith.constant 0 : i32
    %dma_start3A_184 = arith.constant 0 : i32
    %dma_start3A_185 = tpu.memref_slice %arg7[%dma_start3A_183, %dma_start3A_184] : memref<768x32xf32, #tpu.memory_space<vmem>> -> memref<128x32xf32, #tpu.memory_space<vmem>>
    %dma_start3A_186 = arith.constant 0 : i32
    %dma_start3A_187 = tpu.memref_slice %arg5[%dma_start3A_186] : memref<768xi32, #tpu.memory_space<vmem>> -> memref<128xi32, #tpu.memory_space<vmem>>
    %dma_start3A_188 = arith.constant 0 : i32
    %dma_start3A_189 = arith.constant 0 : i32
    %dma_start3A_190 = tpu.memref_slice %arg3[%dma_start3A_188, %dma_start3A_189] : memref<16384x32xf32, #tpu.memory_space<hbm>> -> memref<16384x32xf32, #tpu.memory_space<hbm>>
    tpu.enqueue_indirect_dma source(%dma_start3A_190 : memref<16384x32xf32, #tpu.memory_space<hbm>>) target(%dma_start3A_185 : memref<128x32xf32, #tpu.memory_space<vmem>>) offsets(%dma_start3A_187 : memref<128xi32, #tpu.memory_space<vmem>>) semaphore(%arg13 : memref<!tpu.dma_semaphore, #tpu.memory_space<semaphore_mem>>)
    %dma_start3A_191 = arith.constant 128 : i32
    %dma_start3A_192 = arith.constant 0 : i32
    %dma_start3A_193 = tpu.memref_slice %arg7[%dma_start3A_191, %dma_start3A_192] : memref<768x32xf32, #tpu.memory_space<vmem>> -> memref<128x32xf32, #tpu.memory_space<vmem>>
    %dma_start3A_194 = arith.constant 128 : i32
    %dma_start3A_195 = tpu.memref_slice %arg5[%dma_start3A_194] : memref<768xi32, #tpu.memory_space<vmem>> -> memref<128xi32, #tpu.memory_space<vmem>>
    %dma_start3A_196 = arith.constant 0 : i32
    %dma_start3A_197 = arith.constant 0 : i32
    %dma_start3A_198 = tpu.memref_slice %arg3[%dma_start3A_196, %dma_start3A_197] : memref<16384x32xf32, #tpu.memory_space<hbm>> -> memref<16384x32xf32, #tpu.memory_space<hbm>>
    tpu.enqueue_indirect_dma source(%dma_start3A_198 : memref<16384x32xf32, #tpu.memory_space<hbm>>) target(%dma_start3A_193 : memref<128x32xf32, #tpu.memory_space<vmem>>) offsets(%dma_start3A_195 : memref<128xi32, #tpu.memory_space<vmem>>) semaphore(%arg13 : memref<!tpu.dma_semaphore, #tpu.memory_space<semaphore_mem>>)
    %dma_start3A_199 = arith.constant 256 : i32
    %dma_start3A_200 = arith.constant 0 : i32
    %dma_start3A_201 = tpu.memref_slice %arg7[%dma_start3A_199, %dma_start3A_200] : memref<768x32xf32, #tpu.memory_space<vmem>> -> memref<128x32xf32, #tpu.memory_space<vmem>>
    %dma_start3A_202 = arith.constant 256 : i32
    %dma_start3A_203 = tpu.memref_slice %arg5[%dma_start3A_202] : memref<768xi32, #tpu.memory_space<vmem>> -> memref<128xi32, #tpu.memory_space<vmem>>
    %dma_start3A_204 = arith.constant 0 : i32
    %dma_start3A_205 = arith.constant 0 : i32
    %dma_start3A_206 = tpu.memref_slice %arg3[%dma_start3A_204, %dma_start3A_205] : memref<16384x32xf32, #tpu.memory_space<hbm>> -> memref<16384x32xf32, #tpu.memory_space<hbm>>
    tpu.enqueue_indirect_dma source(%dma_start3A_206 : memref<16384x32xf32, #tpu.memory_space<hbm>>) target(%dma_start3A_201 : memref<128x32xf32, #tpu.memory_space<vmem>>) offsets(%dma_start3A_203 : memref<128xi32, #tpu.memory_space<vmem>>) semaphore(%arg13 : memref<!tpu.dma_semaphore, #tpu.memory_space<semaphore_mem>>)
    %dma_start3A_207 = arith.constant 384 : i32
    %dma_start3A_208 = arith.constant 0 : i32
    %dma_start3A_209 = tpu.memref_slice %arg7[%dma_start3A_207, %dma_start3A_208] : memref<768x32xf32, #tpu.memory_space<vmem>> -> memref<128x32xf32, #tpu.memory_space<vmem>>
    %dma_start3A_210 = arith.constant 384 : i32
    %dma_start3A_211 = tpu.memref_slice %arg5[%dma_start3A_210] : memref<768xi32, #tpu.memory_space<vmem>> -> memref<128xi32, #tpu.memory_space<vmem>>
    %dma_start3A_212 = arith.constant 0 : i32
    %dma_start3A_213 = arith.constant 0 : i32
    %dma_start3A_214 = tpu.memref_slice %arg3[%dma_start3A_212, %dma_start3A_213] : memref<16384x32xf32, #tpu.memory_space<hbm>> -> memref<16384x32xf32, #tpu.memory_space<hbm>>
    tpu.enqueue_indirect_dma source(%dma_start3A_214 : memref<16384x32xf32, #tpu.memory_space<hbm>>) target(%dma_start3A_209 : memref<128x32xf32, #tpu.memory_space<vmem>>) offsets(%dma_start3A_211 : memref<128xi32, #tpu.memory_space<vmem>>) semaphore(%arg13 : memref<!tpu.dma_semaphore, #tpu.memory_space<semaphore_mem>>)
    %dma_start3A_215 = arith.constant 512 : i32
    %dma_start3A_216 = arith.constant 0 : i32
    %dma_start3A_217 = tpu.memref_slice %arg7[%dma_start3A_215, %dma_start3A_216] : memref<768x32xf32, #tpu.memory_space<vmem>> -> memref<128x32xf32, #tpu.memory_space<vmem>>
    %dma_start3A_218 = arith.constant 512 : i32
    %dma_start3A_219 = tpu.memref_slice %arg5[%dma_start3A_218] : memref<768xi32, #tpu.memory_space<vmem>> -> memref<128xi32, #tpu.memory_space<vmem>>
    %dma_start3A_220 = arith.constant 0 : i32
    %dma_start3A_221 = arith.constant 0 : i32
    %dma_start3A_222 = tpu.memref_slice %arg3[%dma_start3A_220, %dma_start3A_221] : memref<16384x32xf32, #tpu.memory_space<hbm>> -> memref<16384x32xf32, #tpu.memory_space<hbm>>
    tpu.enqueue_indirect_dma source(%dma_start3A_222 : memref<16384x32xf32, #tpu.memory_space<hbm>>) target(%dma_start3A_217 : memref<128x32xf32, #tpu.memory_space<vmem>>) offsets(%dma_start3A_219 : memref<128xi32, #tpu.memory_space<vmem>>) semaphore(%arg13 : memref<!tpu.dma_semaphore, #tpu.memory_space<semaphore_mem>>)
    %dma_start3A_223 = arith.constant 640 : i32
    %dma_start3A_224 = arith.constant 0 : i32
    %dma_start3A_225 = tpu.memref_slice %arg7[%dma_start3A_223, %dma_start3A_224] : memref<768x32xf32, #tpu.memory_space<vmem>> -> memref<128x32xf32, #tpu.memory_space<vmem>>
    %dma_start3A_226 = arith.constant 640 : i32
    %dma_start3A_227 = tpu.memref_slice %arg5[%dma_start3A_226] : memref<768xi32, #tpu.memory_space<vmem>> -> memref<128xi32, #tpu.memory_space<vmem>>
    %dma_start3A_228 = arith.constant 0 : i32
    %dma_start3A_229 = arith.constant 0 : i32
    %dma_start3A_230 = tpu.memref_slice %arg3[%dma_start3A_228, %dma_start3A_229] : memref<16384x32xf32, #tpu.memory_space<hbm>> -> memref<16384x32xf32, #tpu.memory_space<hbm>>
    tpu.enqueue_indirect_dma source(%dma_start3A_230 : memref<16384x32xf32, #tpu.memory_space<hbm>>) target(%dma_start3A_225 : memref<128x32xf32, #tpu.memory_space<vmem>>) offsets(%dma_start3A_227 : memref<128xi32, #tpu.memory_space<vmem>>) semaphore(%arg13 : memref<!tpu.dma_semaphore, #tpu.memory_space<semaphore_mem>>)
    %dma_wait3A_231 = arith.constant 0 : i32
    %dma_wait3A_232 = arith.constant 0 : i32
    %dma_wait3A_233 = tpu.memref_slice %arg8[%dma_wait3A_231, %dma_wait3A_232] : memref<768x32xf32, #tpu.memory_space<vmem>> -> memref<128x32xf32, #tpu.memory_space<vmem>>
    %dma_wait3A_234 = arith.constant 0 : i32
    %dma_wait3A_235 = tpu.memref_slice %arg6[%dma_wait3A_234] : memref<768xi32, #tpu.memory_space<vmem>> -> memref<128xi32, #tpu.memory_space<vmem>>
    %dma_wait3A_236 = arith.constant 0 : i32
    %dma_wait3A_237 = arith.constant 0 : i32
    %dma_wait3A_238 = tpu.memref_slice %arg3[%dma_wait3A_236, %dma_wait3A_237] : memref<16384x32xf32, #tpu.memory_space<hbm>> -> memref<16384x32xf32, #tpu.memory_space<hbm>>
    tpu.wait_indirect_dma semaphore(%arg14 : memref<!tpu.dma_semaphore, #tpu.memory_space<semaphore_mem>>) src(%dma_wait3A_238 : memref<16384x32xf32, #tpu.memory_space<hbm>>) dst(%dma_wait3A_233 : memref<128x32xf32, #tpu.memory_space<vmem>>)
    %dma_wait3A_239 = arith.constant 128 : i32
    %dma_wait3A_240 = arith.constant 0 : i32
    %dma_wait3A_241 = tpu.memref_slice %arg8[%dma_wait3A_239, %dma_wait3A_240] : memref<768x32xf32, #tpu.memory_space<vmem>> -> memref<128x32xf32, #tpu.memory_space<vmem>>
    %dma_wait3A_242 = arith.constant 128 : i32
    %dma_wait3A_243 = tpu.memref_slice %arg6[%dma_wait3A_242] : memref<768xi32, #tpu.memory_space<vmem>> -> memref<128xi32, #tpu.memory_space<vmem>>
    %dma_wait3A_244 = arith.constant 0 : i32
    %dma_wait3A_245 = arith.constant 0 : i32
    %dma_wait3A_246 = tpu.memref_slice %arg3[%dma_wait3A_244, %dma_wait3A_245] : memref<16384x32xf32, #tpu.memory_space<hbm>> -> memref<16384x32xf32, #tpu.memory_space<hbm>>
    tpu.wait_indirect_dma semaphore(%arg14 : memref<!tpu.dma_semaphore, #tpu.memory_space<semaphore_mem>>) src(%dma_wait3A_246 : memref<16384x32xf32, #tpu.memory_space<hbm>>) dst(%dma_wait3A_241 : memref<128x32xf32, #tpu.memory_space<vmem>>)
    %dma_wait3A_247 = arith.constant 256 : i32
    %dma_wait3A_248 = arith.constant 0 : i32
    %dma_wait3A_249 = tpu.memref_slice %arg8[%dma_wait3A_247, %dma_wait3A_248] : memref<768x32xf32, #tpu.memory_space<vmem>> -> memref<128x32xf32, #tpu.memory_space<vmem>>
    %dma_wait3A_250 = arith.constant 256 : i32
    %dma_wait3A_251 = tpu.memref_slice %arg6[%dma_wait3A_250] : memref<768xi32, #tpu.memory_space<vmem>> -> memref<128xi32, #tpu.memory_space<vmem>>
    %dma_wait3A_252 = arith.constant 0 : i32
    %dma_wait3A_253 = arith.constant 0 : i32
    %dma_wait3A_254 = tpu.memref_slice %arg3[%dma_wait3A_252, %dma_wait3A_253] : memref<16384x32xf32, #tpu.memory_space<hbm>> -> memref<16384x32xf32, #tpu.memory_space<hbm>>
    tpu.wait_indirect_dma semaphore(%arg14 : memref<!tpu.dma_semaphore, #tpu.memory_space<semaphore_mem>>) src(%dma_wait3A_254 : memref<16384x32xf32, #tpu.memory_space<hbm>>) dst(%dma_wait3A_249 : memref<128x32xf32, #tpu.memory_space<vmem>>)
    %dma_wait3A_255 = arith.constant 384 : i32
    %dma_wait3A_256 = arith.constant 0 : i32
    %dma_wait3A_257 = tpu.memref_slice %arg8[%dma_wait3A_255, %dma_wait3A_256] : memref<768x32xf32, #tpu.memory_space<vmem>> -> memref<128x32xf32, #tpu.memory_space<vmem>>
    %dma_wait3A_258 = arith.constant 384 : i32
    %dma_wait3A_259 = tpu.memref_slice %arg6[%dma_wait3A_258] : memref<768xi32, #tpu.memory_space<vmem>> -> memref<128xi32, #tpu.memory_space<vmem>>
    %dma_wait3A_260 = arith.constant 0 : i32
    %dma_wait3A_261 = arith.constant 0 : i32
    %dma_wait3A_262 = tpu.memref_slice %arg3[%dma_wait3A_260, %dma_wait3A_261] : memref<16384x32xf32, #tpu.memory_space<hbm>> -> memref<16384x32xf32, #tpu.memory_space<hbm>>
    tpu.wait_indirect_dma semaphore(%arg14 : memref<!tpu.dma_semaphore, #tpu.memory_space<semaphore_mem>>) src(%dma_wait3A_262 : memref<16384x32xf32, #tpu.memory_space<hbm>>) dst(%dma_wait3A_257 : memref<128x32xf32, #tpu.memory_space<vmem>>)
    %dma_wait3A_263 = arith.constant 512 : i32
    %dma_wait3A_264 = arith.constant 0 : i32
    %dma_wait3A_265 = tpu.memref_slice %arg8[%dma_wait3A_263, %dma_wait3A_264] : memref<768x32xf32, #tpu.memory_space<vmem>> -> memref<128x32xf32, #tpu.memory_space<vmem>>
    %dma_wait3A_266 = arith.constant 512 : i32
    %dma_wait3A_267 = tpu.memref_slice %arg6[%dma_wait3A_266] : memref<768xi32, #tpu.memory_space<vmem>> -> memref<128xi32, #tpu.memory_space<vmem>>
    %dma_wait3A_268 = arith.constant 0 : i32
    %dma_wait3A_269 = arith.constant 0 : i32
    %dma_wait3A_270 = tpu.memref_slice %arg3[%dma_wait3A_268, %dma_wait3A_269] : memref<16384x32xf32, #tpu.memory_space<hbm>> -> memref<16384x32xf32, #tpu.memory_space<hbm>>
    tpu.wait_indirect_dma semaphore(%arg14 : memref<!tpu.dma_semaphore, #tpu.memory_space<semaphore_mem>>) src(%dma_wait3A_270 : memref<16384x32xf32, #tpu.memory_space<hbm>>) dst(%dma_wait3A_265 : memref<128x32xf32, #tpu.memory_space<vmem>>)
    %dma_wait3A_271 = arith.constant 640 : i32
    %dma_wait3A_272 = arith.constant 0 : i32
    %dma_wait3A_273 = tpu.memref_slice %arg8[%dma_wait3A_271, %dma_wait3A_272] : memref<768x32xf32, #tpu.memory_space<vmem>> -> memref<128x32xf32, #tpu.memory_space<vmem>>
    %dma_wait3A_274 = arith.constant 640 : i32
    %dma_wait3A_275 = tpu.memref_slice %arg6[%dma_wait3A_274] : memref<768xi32, #tpu.memory_space<vmem>> -> memref<128xi32, #tpu.memory_space<vmem>>
    %dma_wait3A_276 = arith.constant 0 : i32
    %dma_wait3A_277 = arith.constant 0 : i32
    %dma_wait3A_278 = tpu.memref_slice %arg3[%dma_wait3A_276, %dma_wait3A_277] : memref<16384x32xf32, #tpu.memory_space<hbm>> -> memref<16384x32xf32, #tpu.memory_space<hbm>>
    tpu.wait_indirect_dma semaphore(%arg14 : memref<!tpu.dma_semaphore, #tpu.memory_space<semaphore_mem>>) src(%dma_wait3A_278 : memref<16384x32xf32, #tpu.memory_space<hbm>>) dst(%dma_wait3A_273 : memref<128x32xf32, #tpu.memory_space<vmem>>)
    %mul3A_279 = arith.constant 512 : i32
    %mul3A_280 = arith.muli %add3A, %mul3A_279 : i32
    %add3A_281 = arith.constant 384 : i32
    %add3A_282 = arith.addi %mul3A_280, %add3A_281 : i32
    %mul3A_283 = arith.constant 6 : i32
    %mul3A_284 = arith.muli %add3A_282, %mul3A_283 : i32
    %dma_start3A_285 = tpu.memref_slice %arg2[%mul3A_284] : memref<98304xi32, #tpu.memory_space<hbm>> -> memref<768xi32, #tpu.memory_space<hbm>>
    %dma_start3A_286 = tpu.memref_slice %arg2[%mul3A_284] : memref<98304xi32, #tpu.memory_space<hbm>> -> memref<768xi32, #tpu.memory_space<hbm>>
    tpu.enqueue_dma source(%dma_start3A_286 : memref<768xi32, #tpu.memory_space<hbm>>) target(%arg6 : memref<768xi32, #tpu.memory_space<vmem>>) target_semaphore(%arg12 : memref<!tpu.dma_semaphore, #tpu.memory_space<semaphore_mem>>)
    %parallel_loop3A_287 = arith.constant 0 : i32
    %parallel_loop3A_288 = arith.constant 128 : i32
    %parallel_loop3A_289 = arith.constant 1 : i32
    scf.for %parallel_loop3A_482 = %parallel_loop3A_287 to %parallel_loop3A_288 step %parallel_loop3A_289  : i32 {
      %parallel_loop3A_483 = arith.constant 6 : i32
      %parallel_loop3A_484 = arith.muli %parallel_loop3A_482, %parallel_loop3A_483 : i32
      %parallel_loop3A_485 = arith.index_cast %parallel_loop3A_484 : i32 to index
      %parallel_loop3A_486 = arith.constant 0 : index
      %parallel_loop3A_487 = tpu.vector_load %arg8[%parallel_loop3A_485, %parallel_loop3A_486] {strides = array<i32>} : memref<768x32xf32, #tpu.memory_space<vmem>>, vector<1x16xf32>,
      %parallel_loop3A_488 = vector.shape_cast %parallel_loop3A_487 : vector<1x16xf32> to vector<16xf32>
      %parallel_loop3A_489 = arith.constant 1 : i32
      %parallel_loop3A_490 = arith.addi %parallel_loop3A_484, %parallel_loop3A_489 : i32
      %parallel_loop3A_491 = arith.index_cast %parallel_loop3A_490 : i32 to index
      %parallel_loop3A_492 = arith.constant 0 : index
      %parallel_loop3A_493 = tpu.vector_load %arg8[%parallel_loop3A_491, %parallel_loop3A_492] {strides = array<i32>} : memref<768x32xf32, #tpu.memory_space<vmem>>, vector<1x16xf32>,
      %parallel_loop3A_494 = vector.shape_cast %parallel_loop3A_493 : vector<1x16xf32> to vector<16xf32>
      %parallel_loop3A_495 = arith.addf %parallel_loop3A_488, %parallel_loop3A_494 : vector<16xf32>
      %parallel_loop3A_496 = arith.constant 2 : i32
      %parallel_loop3A_497 = arith.addi %parallel_loop3A_484, %parallel_loop3A_496 : i32
      %parallel_loop3A_498 = arith.index_cast %parallel_loop3A_497 : i32 to index
      %parallel_loop3A_499 = arith.constant 0 : index
      %parallel_loop3A_500 = tpu.vector_load %arg8[%parallel_loop3A_498, %parallel_loop3A_499] {strides = array<i32>} : memref<768x32xf32, #tpu.memory_space<vmem>>, vector<1x16xf32>,
      %parallel_loop3A_501 = vector.shape_cast %parallel_loop3A_500 : vector<1x16xf32> to vector<16xf32>
      %parallel_loop3A_502 = arith.constant 3 : i32
      %parallel_loop3A_503 = arith.addi %parallel_loop3A_484, %parallel_loop3A_502 : i32
      %parallel_loop3A_504 = arith.index_cast %parallel_loop3A_503 : i32 to index
      %parallel_loop3A_505 = arith.constant 0 : index
      %parallel_loop3A_506 = tpu.vector_load %arg8[%parallel_loop3A_504, %parallel_loop3A_505] {strides = array<i32>} : memref<768x32xf32, #tpu.memory_space<vmem>>, vector<1x16xf32>,
      %parallel_loop3A_507 = vector.shape_cast %parallel_loop3A_506 : vector<1x16xf32> to vector<16xf32>
      %parallel_loop3A_508 = arith.addf %parallel_loop3A_501, %parallel_loop3A_507 : vector<16xf32>
      %parallel_loop3A_509 = arith.addf %parallel_loop3A_495, %parallel_loop3A_508 : vector<16xf32>
      %parallel_loop3A_510 = arith.constant 4 : i32
      %parallel_loop3A_511 = arith.addi %parallel_loop3A_484, %parallel_loop3A_510 : i32
      %parallel_loop3A_512 = arith.index_cast %parallel_loop3A_511 : i32 to index
      %parallel_loop3A_513 = arith.constant 0 : index
      %parallel_loop3A_514 = tpu.vector_load %arg8[%parallel_loop3A_512, %parallel_loop3A_513] {strides = array<i32>} : memref<768x32xf32, #tpu.memory_space<vmem>>, vector<1x16xf32>,
      %parallel_loop3A_515 = vector.shape_cast %parallel_loop3A_514 : vector<1x16xf32> to vector<16xf32>
      %parallel_loop3A_516 = arith.constant 5 : i32
      %parallel_loop3A_517 = arith.addi %parallel_loop3A_484, %parallel_loop3A_516 : i32
      %parallel_loop3A_518 = arith.index_cast %parallel_loop3A_517 : i32 to index
      %parallel_loop3A_519 = arith.constant 0 : index
      %parallel_loop3A_520 = tpu.vector_load %arg8[%parallel_loop3A_518, %parallel_loop3A_519] {strides = array<i32>} : memref<768x32xf32, #tpu.memory_space<vmem>>, vector<1x16xf32>,
      %parallel_loop3A_521 = vector.shape_cast %parallel_loop3A_520 : vector<1x16xf32> to vector<16xf32>
      %parallel_loop3A_522 = arith.addf %parallel_loop3A_515, %parallel_loop3A_521 : vector<16xf32>
      %parallel_loop3A_523 = arith.addf %parallel_loop3A_509, %parallel_loop3A_522 : vector<16xf32>
      %parallel_loop3A_524 = arith.index_cast %parallel_loop3A_482 : i32 to index
      %parallel_loop3A_525 = arith.constant 0 : index
      %parallel_loop3A_526 = tpu.vector_load %arg10[%parallel_loop3A_524, %parallel_loop3A_525] {strides = array<i32>} : memref<128x32xf32, #tpu.memory_space<vmem>>, vector<1x16xf32>,
      %parallel_loop3A_527 = vector.shape_cast %parallel_loop3A_526 : vector<1x16xf32> to vector<16xf32>
      %parallel_loop3A_528 = vector.shape_cast %parallel_loop3A_523 : vector<16xf32> to vector<1x16xf32>
      tpu.vector_store %arg10[%parallel_loop3A_524, %parallel_loop3A_525], %parallel_loop3A_528 {strides = array<i32>} : memref<128x32xf32, #tpu.memory_space<vmem>>, vector<1x16xf32>,
      %parallel_loop3A_529 = arith.index_cast %parallel_loop3A_484 : i32 to index
      %parallel_loop3A_530 = arith.constant 16 : index
      %parallel_loop3A_531 = tpu.vector_load %arg8[%parallel_loop3A_529, %parallel_loop3A_530] {strides = array<i32>} : memref<768x32xf32, #tpu.memory_space<vmem>>, vector<1x16xf32>,
      %parallel_loop3A_532 = vector.shape_cast %parallel_loop3A_531 : vector<1x16xf32> to vector<16xf32>
      %parallel_loop3A_533 = arith.constant 1 : i32
      %parallel_loop3A_534 = arith.addi %parallel_loop3A_484, %parallel_loop3A_533 : i32
      %parallel_loop3A_535 = arith.index_cast %parallel_loop3A_534 : i32 to index
      %parallel_loop3A_536 = arith.constant 16 : index
      %parallel_loop3A_537 = tpu.vector_load %arg8[%parallel_loop3A_535, %parallel_loop3A_536] {strides = array<i32>} : memref<768x32xf32, #tpu.memory_space<vmem>>, vector<1x16xf32>,
      %parallel_loop3A_538 = vector.shape_cast %parallel_loop3A_537 : vector<1x16xf32> to vector<16xf32>
      %parallel_loop3A_539 = arith.addf %parallel_loop3A_532, %parallel_loop3A_538 : vector<16xf32>
      %parallel_loop3A_540 = arith.constant 2 : i32
      %parallel_loop3A_541 = arith.addi %parallel_loop3A_484, %parallel_loop3A_540 : i32
      %parallel_loop3A_542 = arith.index_cast %parallel_loop3A_541 : i32 to index
      %parallel_loop3A_543 = arith.constant 16 : index
      %parallel_loop3A_544 = tpu.vector_load %arg8[%parallel_loop3A_542, %parallel_loop3A_543] {strides = array<i32>} : memref<768x32xf32, #tpu.memory_space<vmem>>, vector<1x16xf32>,
      %parallel_loop3A_545 = vector.shape_cast %parallel_loop3A_544 : vector<1x16xf32> to vector<16xf32>
      %parallel_loop3A_546 = arith.constant 3 : i32
      %parallel_loop3A_547 = arith.addi %parallel_loop3A_484, %parallel_loop3A_546 : i32
      %parallel_loop3A_548 = arith.index_cast %parallel_loop3A_547 : i32 to index
      %parallel_loop3A_549 = arith.constant 16 : index
      %parallel_loop3A_550 = tpu.vector_load %arg8[%parallel_loop3A_548, %parallel_loop3A_549] {strides = array<i32>} : memref<768x32xf32, #tpu.memory_space<vmem>>, vector<1x16xf32>,
      %parallel_loop3A_551 = vector.shape_cast %parallel_loop3A_550 : vector<1x16xf32> to vector<16xf32>
      %parallel_loop3A_552 = arith.addf %parallel_loop3A_545, %parallel_loop3A_551 : vector<16xf32>
      %parallel_loop3A_553 = arith.addf %parallel_loop3A_539, %parallel_loop3A_552 : vector<16xf32>
      %parallel_loop3A_554 = arith.constant 4 : i32
      %parallel_loop3A_555 = arith.addi %parallel_loop3A_484, %parallel_loop3A_554 : i32
      %parallel_loop3A_556 = arith.index_cast %parallel_loop3A_555 : i32 to index
      %parallel_loop3A_557 = arith.constant 16 : index
      %parallel_loop3A_558 = tpu.vector_load %arg8[%parallel_loop3A_556, %parallel_loop3A_557] {strides = array<i32>} : memref<768x32xf32, #tpu.memory_space<vmem>>, vector<1x16xf32>,
      %parallel_loop3A_559 = vector.shape_cast %parallel_loop3A_558 : vector<1x16xf32> to vector<16xf32>
      %parallel_loop3A_560 = arith.constant 5 : i32
      %parallel_loop3A_561 = arith.addi %parallel_loop3A_484, %parallel_loop3A_560 : i32
      %parallel_loop3A_562 = arith.index_cast %parallel_loop3A_561 : i32 to index
      %parallel_loop3A_563 = arith.constant 16 : index
      %parallel_loop3A_564 = tpu.vector_load %arg8[%parallel_loop3A_562, %parallel_loop3A_563] {strides = array<i32>} : memref<768x32xf32, #tpu.memory_space<vmem>>, vector<1x16xf32>,
      %parallel_loop3A_565 = vector.shape_cast %parallel_loop3A_564 : vector<1x16xf32> to vector<16xf32>
      %parallel_loop3A_566 = arith.addf %parallel_loop3A_559, %parallel_loop3A_565 : vector<16xf32>
      %parallel_loop3A_567 = arith.addf %parallel_loop3A_553, %parallel_loop3A_566 : vector<16xf32>
      %parallel_loop3A_568 = arith.index_cast %parallel_loop3A_482 : i32 to index
      %parallel_loop3A_569 = arith.constant 16 : index
      %parallel_loop3A_570 = tpu.vector_load %arg10[%parallel_loop3A_568, %parallel_loop3A_569] {strides = array<i32>} : memref<128x32xf32, #tpu.memory_space<vmem>>, vector<1x16xf32>,
      %parallel_loop3A_571 = vector.shape_cast %parallel_loop3A_570 : vector<1x16xf32> to vector<16xf32>
      %parallel_loop3A_572 = vector.shape_cast %parallel_loop3A_567 : vector<16xf32> to vector<1x16xf32>
      tpu.vector_store %arg10[%parallel_loop3A_568, %parallel_loop3A_569], %parallel_loop3A_572 {strides = array<i32>} : memref<128x32xf32, #tpu.memory_space<vmem>>, vector<1x16xf32>,
    } {sc.loop_unroll_factor = 4 : i64, sc.parallel_access}
    %mul3A_290 = arith.constant 512 : i32
    %mul3A_291 = arith.muli %add3A, %mul3A_290 : i32
    %add3A_292 = arith.constant 128 : i32
    %add3A_293 = arith.addi %mul3A_291, %add3A_292 : i32
    %dma_start3A_294 = arith.constant 0 : i32
    %dma_start3A_295 = tpu.memref_slice %arg4[%add3A_293, %dma_start3A_294] : memref<16384x32xf32, #tpu.memory_space<hbm>> -> memref<128x32xf32, #tpu.memory_space<hbm>>
    %dma_start3A_296 = arith.constant 0 : i32
    %dma_start3A_297 = tpu.memref_slice %arg4[%add3A_293, %dma_start3A_296] : memref<16384x32xf32, #tpu.memory_space<hbm>> -> memref<128x32xf32, #tpu.memory_space<hbm>>
    tpu.enqueue_dma source(%arg10 : memref<128x32xf32, #tpu.memory_space<vmem>>) target(%dma_start3A_297 : memref<128x32xf32, #tpu.memory_space<hbm>>) target_semaphore(%arg15 : memref<!tpu.dma_semaphore, #tpu.memory_space<semaphore_mem>>)
    %dma_wait3A_298 = tpu.memref_slice %arg2[%mul3A_284] : memref<98304xi32, #tpu.memory_space<hbm>> -> memref<768xi32, #tpu.memory_space<hbm>>
    %dma_wait3A_299 = tpu.memref_slice %arg2[%mul3A_284] : memref<98304xi32, #tpu.memory_space<hbm>> -> memref<768xi32, #tpu.memory_space<hbm>>
    tpu.wait_dma2 semaphore(%arg12 : memref<!tpu.dma_semaphore, #tpu.memory_space<semaphore_mem>>) src(%dma_wait3A_299 : memref<768xi32, #tpu.memory_space<hbm>>) dst(%arg6 : memref<768xi32, #tpu.memory_space<vmem>>)
    %dma_start3A_300 = arith.constant 0 : i32
    %dma_start3A_301 = arith.constant 0 : i32
    %dma_start3A_302 = tpu.memref_slice %arg8[%dma_start3A_300, %dma_start3A_301] : memref<768x32xf32, #tpu.memory_space<vmem>> -> memref<128x32xf32, #tpu.memory_space<vmem>>
    %dma_start3A_303 = arith.constant 0 : i32
    %dma_start3A_304 = tpu.memref_slice %arg6[%dma_start3A_303] : memref<768xi32, #tpu.memory_space<vmem>> -> memref<128xi32, #tpu.memory_space<vmem>>
    %dma_start3A_305 = arith.constant 0 : i32
    %dma_start3A_306 = arith.constant 0 : i32
    %dma_start3A_307 = tpu.memref_slice %arg3[%dma_start3A_305, %dma_start3A_306] : memref<16384x32xf32, #tpu.memory_space<hbm>> -> memref<16384x32xf32, #tpu.memory_space<hbm>>
    tpu.enqueue_indirect_dma source(%dma_start3A_307 : memref<16384x32xf32, #tpu.memory_space<hbm>>) target(%dma_start3A_302 : memref<128x32xf32, #tpu.memory_space<vmem>>) offsets(%dma_start3A_304 : memref<128xi32, #tpu.memory_space<vmem>>) semaphore(%arg14 : memref<!tpu.dma_semaphore, #tpu.memory_space<semaphore_mem>>)
    %dma_start3A_308 = arith.constant 128 : i32
    %dma_start3A_309 = arith.constant 0 : i32
    %dma_start3A_310 = tpu.memref_slice %arg8[%dma_start3A_308, %dma_start3A_309] : memref<768x32xf32, #tpu.memory_space<vmem>> -> memref<128x32xf32, #tpu.memory_space<vmem>>
    %dma_start3A_311 = arith.constant 128 : i32
    %dma_start3A_312 = tpu.memref_slice %arg6[%dma_start3A_311] : memref<768xi32, #tpu.memory_space<vmem>> -> memref<128xi32, #tpu.memory_space<vmem>>
    %dma_start3A_313 = arith.constant 0 : i32
    %dma_start3A_314 = arith.constant 0 : i32
    %dma_start3A_315 = tpu.memref_slice %arg3[%dma_start3A_313, %dma_start3A_314] : memref<16384x32xf32, #tpu.memory_space<hbm>> -> memref<16384x32xf32, #tpu.memory_space<hbm>>
    tpu.enqueue_indirect_dma source(%dma_start3A_315 : memref<16384x32xf32, #tpu.memory_space<hbm>>) target(%dma_start3A_310 : memref<128x32xf32, #tpu.memory_space<vmem>>) offsets(%dma_start3A_312 : memref<128xi32, #tpu.memory_space<vmem>>) semaphore(%arg14 : memref<!tpu.dma_semaphore, #tpu.memory_space<semaphore_mem>>)
    %dma_start3A_316 = arith.constant 256 : i32
    %dma_start3A_317 = arith.constant 0 : i32
    %dma_start3A_318 = tpu.memref_slice %arg8[%dma_start3A_316, %dma_start3A_317] : memref<768x32xf32, #tpu.memory_space<vmem>> -> memref<128x32xf32, #tpu.memory_space<vmem>>
    %dma_start3A_319 = arith.constant 256 : i32
    %dma_start3A_320 = tpu.memref_slice %arg6[%dma_start3A_319] : memref<768xi32, #tpu.memory_space<vmem>> -> memref<128xi32, #tpu.memory_space<vmem>>
    %dma_start3A_321 = arith.constant 0 : i32
    %dma_start3A_322 = arith.constant 0 : i32
    %dma_start3A_323 = tpu.memref_slice %arg3[%dma_start3A_321, %dma_start3A_322] : memref<16384x32xf32, #tpu.memory_space<hbm>> -> memref<16384x32xf32, #tpu.memory_space<hbm>>
    tpu.enqueue_indirect_dma source(%dma_start3A_323 : memref<16384x32xf32, #tpu.memory_space<hbm>>) target(%dma_start3A_318 : memref<128x32xf32, #tpu.memory_space<vmem>>) offsets(%dma_start3A_320 : memref<128xi32, #tpu.memory_space<vmem>>) semaphore(%arg14 : memref<!tpu.dma_semaphore, #tpu.memory_space<semaphore_mem>>)
    %dma_start3A_324 = arith.constant 384 : i32
    %dma_start3A_325 = arith.constant 0 : i32
    %dma_start3A_326 = tpu.memref_slice %arg8[%dma_start3A_324, %dma_start3A_325] : memref<768x32xf32, #tpu.memory_space<vmem>> -> memref<128x32xf32, #tpu.memory_space<vmem>>
    %dma_start3A_327 = arith.constant 384 : i32
    %dma_start3A_328 = tpu.memref_slice %arg6[%dma_start3A_327] : memref<768xi32, #tpu.memory_space<vmem>> -> memref<128xi32, #tpu.memory_space<vmem>>
    %dma_start3A_329 = arith.constant 0 : i32
    %dma_start3A_330 = arith.constant 0 : i32
    %dma_start3A_331 = tpu.memref_slice %arg3[%dma_start3A_329, %dma_start3A_330] : memref<16384x32xf32, #tpu.memory_space<hbm>> -> memref<16384x32xf32, #tpu.memory_space<hbm>>
    tpu.enqueue_indirect_dma source(%dma_start3A_331 : memref<16384x32xf32, #tpu.memory_space<hbm>>) target(%dma_start3A_326 : memref<128x32xf32, #tpu.memory_space<vmem>>) offsets(%dma_start3A_328 : memref<128xi32, #tpu.memory_space<vmem>>) semaphore(%arg14 : memref<!tpu.dma_semaphore, #tpu.memory_space<semaphore_mem>>)
    %dma_start3A_332 = arith.constant 512 : i32
    %dma_start3A_333 = arith.constant 0 : i32
    %dma_start3A_334 = tpu.memref_slice %arg8[%dma_start3A_332, %dma_start3A_333] : memref<768x32xf32, #tpu.memory_space<vmem>> -> memref<128x32xf32, #tpu.memory_space<vmem>>
    %dma_start3A_335 = arith.constant 512 : i32
    %dma_start3A_336 = tpu.memref_slice %arg6[%dma_start3A_335] : memref<768xi32, #tpu.memory_space<vmem>> -> memref<128xi32, #tpu.memory_space<vmem>>
    %dma_start3A_337 = arith.constant 0 : i32
    %dma_start3A_338 = arith.constant 0 : i32
    %dma_start3A_339 = tpu.memref_slice %arg3[%dma_start3A_337, %dma_start3A_338] : memref<16384x32xf32, #tpu.memory_space<hbm>> -> memref<16384x32xf32, #tpu.memory_space<hbm>>
    tpu.enqueue_indirect_dma source(%dma_start3A_339 : memref<16384x32xf32, #tpu.memory_space<hbm>>) target(%dma_start3A_334 : memref<128x32xf32, #tpu.memory_space<vmem>>) offsets(%dma_start3A_336 : memref<128xi32, #tpu.memory_space<vmem>>) semaphore(%arg14 : memref<!tpu.dma_semaphore, #tpu.memory_space<semaphore_mem>>)
    %dma_start3A_340 = arith.constant 640 : i32
    %dma_start3A_341 = arith.constant 0 : i32
    %dma_start3A_342 = tpu.memref_slice %arg8[%dma_start3A_340, %dma_start3A_341] : memref<768x32xf32, #tpu.memory_space<vmem>> -> memref<128x32xf32, #tpu.memory_space<vmem>>
    %dma_start3A_343 = arith.constant 640 : i32
    %dma_start3A_344 = tpu.memref_slice %arg6[%dma_start3A_343] : memref<768xi32, #tpu.memory_space<vmem>> -> memref<128xi32, #tpu.memory_space<vmem>>
    %dma_start3A_345 = arith.constant 0 : i32
    %dma_start3A_346 = arith.constant 0 : i32
    %dma_start3A_347 = tpu.memref_slice %arg3[%dma_start3A_345, %dma_start3A_346] : memref<16384x32xf32, #tpu.memory_space<hbm>> -> memref<16384x32xf32, #tpu.memory_space<hbm>>
    tpu.enqueue_indirect_dma source(%dma_start3A_347 : memref<16384x32xf32, #tpu.memory_space<hbm>>) target(%dma_start3A_342 : memref<128x32xf32, #tpu.memory_space<vmem>>) offsets(%dma_start3A_344 : memref<128xi32, #tpu.memory_space<vmem>>) semaphore(%arg14 : memref<!tpu.dma_semaphore, #tpu.memory_space<semaphore_mem>>)
    %dma_wait3A_348 = arith.constant 0 : i32
    %dma_wait3A_349 = arith.constant 0 : i32
    %dma_wait3A_350 = tpu.memref_slice %arg7[%dma_wait3A_348, %dma_wait3A_349] : memref<768x32xf32, #tpu.memory_space<vmem>> -> memref<128x32xf32, #tpu.memory_space<vmem>>
    %dma_wait3A_351 = arith.constant 0 : i32
    %dma_wait3A_352 = tpu.memref_slice %arg5[%dma_wait3A_351] : memref<768xi32, #tpu.memory_space<vmem>> -> memref<128xi32, #tpu.memory_space<vmem>>
    %dma_wait3A_353 = arith.constant 0 : i32
    %dma_wait3A_354 = arith.constant 0 : i32
    %dma_wait3A_355 = tpu.memref_slice %arg3[%dma_wait3A_353, %dma_wait3A_354] : memref<16384x32xf32, #tpu.memory_space<hbm>> -> memref<16384x32xf32, #tpu.memory_space<hbm>>
    tpu.wait_indirect_dma semaphore(%arg13 : memref<!tpu.dma_semaphore, #tpu.memory_space<semaphore_mem>>) src(%dma_wait3A_355 : memref<16384x32xf32, #tpu.memory_space<hbm>>) dst(%dma_wait3A_350 : memref<128x32xf32, #tpu.memory_space<vmem>>)
    %dma_wait3A_356 = arith.constant 128 : i32
    %dma_wait3A_357 = arith.constant 0 : i32
    %dma_wait3A_358 = tpu.memref_slice %arg7[%dma_wait3A_356, %dma_wait3A_357] : memref<768x32xf32, #tpu.memory_space<vmem>> -> memref<128x32xf32, #tpu.memory_space<vmem>>
    %dma_wait3A_359 = arith.constant 128 : i32
    %dma_wait3A_360 = tpu.memref_slice %arg5[%dma_wait3A_359] : memref<768xi32, #tpu.memory_space<vmem>> -> memref<128xi32, #tpu.memory_space<vmem>>
    %dma_wait3A_361 = arith.constant 0 : i32
    %dma_wait3A_362 = arith.constant 0 : i32
    %dma_wait3A_363 = tpu.memref_slice %arg3[%dma_wait3A_361, %dma_wait3A_362] : memref<16384x32xf32, #tpu.memory_space<hbm>> -> memref<16384x32xf32, #tpu.memory_space<hbm>>
    tpu.wait_indirect_dma semaphore(%arg13 : memref<!tpu.dma_semaphore, #tpu.memory_space<semaphore_mem>>) src(%dma_wait3A_363 : memref<16384x32xf32, #tpu.memory_space<hbm>>) dst(%dma_wait3A_358 : memref<128x32xf32, #tpu.memory_space<vmem>>)
    %dma_wait3A_364 = arith.constant 256 : i32
    %dma_wait3A_365 = arith.constant 0 : i32
    %dma_wait3A_366 = tpu.memref_slice %arg7[%dma_wait3A_364, %dma_wait3A_365] : memref<768x32xf32, #tpu.memory_space<vmem>> -> memref<128x32xf32, #tpu.memory_space<vmem>>
    %dma_wait3A_367 = arith.constant 256 : i32
    %dma_wait3A_368 = tpu.memref_slice %arg5[%dma_wait3A_367] : memref<768xi32, #tpu.memory_space<vmem>> -> memref<128xi32, #tpu.memory_space<vmem>>
    %dma_wait3A_369 = arith.constant 0 : i32
    %dma_wait3A_370 = arith.constant 0 : i32
    %dma_wait3A_371 = tpu.memref_slice %arg3[%dma_wait3A_369, %dma_wait3A_370] : memref<16384x32xf32, #tpu.memory_space<hbm>> -> memref<16384x32xf32, #tpu.memory_space<hbm>>
    tpu.wait_indirect_dma semaphore(%arg13 : memref<!tpu.dma_semaphore, #tpu.memory_space<semaphore_mem>>) src(%dma_wait3A_371 : memref<16384x32xf32, #tpu.memory_space<hbm>>) dst(%dma_wait3A_366 : memref<128x32xf32, #tpu.memory_space<vmem>>)
    %dma_wait3A_372 = arith.constant 384 : i32
    %dma_wait3A_373 = arith.constant 0 : i32
    %dma_wait3A_374 = tpu.memref_slice %arg7[%dma_wait3A_372, %dma_wait3A_373] : memref<768x32xf32, #tpu.memory_space<vmem>> -> memref<128x32xf32, #tpu.memory_space<vmem>>
    %dma_wait3A_375 = arith.constant 384 : i32
    %dma_wait3A_376 = tpu.memref_slice %arg5[%dma_wait3A_375] : memref<768xi32, #tpu.memory_space<vmem>> -> memref<128xi32, #tpu.memory_space<vmem>>
    %dma_wait3A_377 = arith.constant 0 : i32
    %dma_wait3A_378 = arith.constant 0 : i32
    %dma_wait3A_379 = tpu.memref_slice %arg3[%dma_wait3A_377, %dma_wait3A_378] : memref<16384x32xf32, #tpu.memory_space<hbm>> -> memref<16384x32xf32, #tpu.memory_space<hbm>>
    tpu.wait_indirect_dma semaphore(%arg13 : memref<!tpu.dma_semaphore, #tpu.memory_space<semaphore_mem>>) src(%dma_wait3A_379 : memref<16384x32xf32, #tpu.memory_space<hbm>>) dst(%dma_wait3A_374 : memref<128x32xf32, #tpu.memory_space<vmem>>)
    %dma_wait3A_380 = arith.constant 512 : i32
    %dma_wait3A_381 = arith.constant 0 : i32
    %dma_wait3A_382 = tpu.memref_slice %arg7[%dma_wait3A_380, %dma_wait3A_381] : memref<768x32xf32, #tpu.memory_space<vmem>> -> memref<128x32xf32, #tpu.memory_space<vmem>>
    %dma_wait3A_383 = arith.constant 512 : i32
    %dma_wait3A_384 = tpu.memref_slice %arg5[%dma_wait3A_383] : memref<768xi32, #tpu.memory_space<vmem>> -> memref<128xi32, #tpu.memory_space<vmem>>
    %dma_wait3A_385 = arith.constant 0 : i32
    %dma_wait3A_386 = arith.constant 0 : i32
    %dma_wait3A_387 = tpu.memref_slice %arg3[%dma_wait3A_385, %dma_wait3A_386] : memref<16384x32xf32, #tpu.memory_space<hbm>> -> memref<16384x32xf32, #tpu.memory_space<hbm>>
    tpu.wait_indirect_dma semaphore(%arg13 : memref<!tpu.dma_semaphore, #tpu.memory_space<semaphore_mem>>) src(%dma_wait3A_387 : memref<16384x32xf32, #tpu.memory_space<hbm>>) dst(%dma_wait3A_382 : memref<128x32xf32, #tpu.memory_space<vmem>>)
    %dma_wait3A_388 = arith.constant 640 : i32
    %dma_wait3A_389 = arith.constant 0 : i32
    %dma_wait3A_390 = tpu.memref_slice %arg7[%dma_wait3A_388, %dma_wait3A_389] : memref<768x32xf32, #tpu.memory_space<vmem>> -> memref<128x32xf32, #tpu.memory_space<vmem>>
    %dma_wait3A_391 = arith.constant 640 : i32
    %dma_wait3A_392 = tpu.memref_slice %arg5[%dma_wait3A_391] : memref<768xi32, #tpu.memory_space<vmem>> -> memref<128xi32, #tpu.memory_space<vmem>>
    %dma_wait3A_393 = arith.constant 0 : i32
    %dma_wait3A_394 = arith.constant 0 : i32
    %dma_wait3A_395 = tpu.memref_slice %arg3[%dma_wait3A_393, %dma_wait3A_394] : memref<16384x32xf32, #tpu.memory_space<hbm>> -> memref<16384x32xf32, #tpu.memory_space<hbm>>
    tpu.wait_indirect_dma semaphore(%arg13 : memref<!tpu.dma_semaphore, #tpu.memory_space<semaphore_mem>>) src(%dma_wait3A_395 : memref<16384x32xf32, #tpu.memory_space<hbm>>) dst(%dma_wait3A_390 : memref<128x32xf32, #tpu.memory_space<vmem>>)
    %dma_wait3A_396 = arith.constant 0 : i32
    %dma_wait3A_397 = tpu.memref_slice %arg4[%add3A_176, %dma_wait3A_396] : memref<16384x32xf32, #tpu.memory_space<hbm>> -> memref<128x32xf32, #tpu.memory_space<hbm>>
    %dma_wait3A_398 = arith.constant 0 : i32
    %dma_wait3A_399 = tpu.memref_slice %arg4[%add3A_176, %dma_wait3A_398] : memref<16384x32xf32, #tpu.memory_space<hbm>> -> memref<128x32xf32, #tpu.memory_space<hbm>>
    tpu.wait_dma2 semaphore(%arg15 : memref<!tpu.dma_semaphore, #tpu.memory_space<semaphore_mem>>) src(%arg9 : memref<128x32xf32, #tpu.memory_space<vmem>>) dst(%dma_wait3A_399 : memref<128x32xf32, #tpu.memory_space<hbm>>)
    %parallel_loop3A_400 = arith.constant 0 : i32
    %parallel_loop3A_401 = arith.constant 128 : i32
    %parallel_loop3A_402 = arith.constant 1 : i32
    scf.for %parallel_loop3A_482 = %parallel_loop3A_400 to %parallel_loop3A_401 step %parallel_loop3A_402  : i32 {
      %parallel_loop3A_483 = arith.constant 6 : i32
      %parallel_loop3A_484 = arith.muli %parallel_loop3A_482, %parallel_loop3A_483 : i32
      %parallel_loop3A_485 = arith.index_cast %parallel_loop3A_484 : i32 to index
      %parallel_loop3A_486 = arith.constant 0 : index
      %parallel_loop3A_487 = tpu.vector_load %arg7[%parallel_loop3A_485, %parallel_loop3A_486] {strides = array<i32>} : memref<768x32xf32, #tpu.memory_space<vmem>>, vector<1x16xf32>,
      %parallel_loop3A_488 = vector.shape_cast %parallel_loop3A_487 : vector<1x16xf32> to vector<16xf32>
      %parallel_loop3A_489 = arith.constant 1 : i32
      %parallel_loop3A_490 = arith.addi %parallel_loop3A_484, %parallel_loop3A_489 : i32
      %parallel_loop3A_491 = arith.index_cast %parallel_loop3A_490 : i32 to index
      %parallel_loop3A_492 = arith.constant 0 : index
      %parallel_loop3A_493 = tpu.vector_load %arg7[%parallel_loop3A_491, %parallel_loop3A_492] {strides = array<i32>} : memref<768x32xf32, #tpu.memory_space<vmem>>, vector<1x16xf32>,
      %parallel_loop3A_494 = vector.shape_cast %parallel_loop3A_493 : vector<1x16xf32> to vector<16xf32>
      %parallel_loop3A_495 = arith.addf %parallel_loop3A_488, %parallel_loop3A_494 : vector<16xf32>
      %parallel_loop3A_496 = arith.constant 2 : i32
      %parallel_loop3A_497 = arith.addi %parallel_loop3A_484, %parallel_loop3A_496 : i32
      %parallel_loop3A_498 = arith.index_cast %parallel_loop3A_497 : i32 to index
      %parallel_loop3A_499 = arith.constant 0 : index
      %parallel_loop3A_500 = tpu.vector_load %arg7[%parallel_loop3A_498, %parallel_loop3A_499] {strides = array<i32>} : memref<768x32xf32, #tpu.memory_space<vmem>>, vector<1x16xf32>,
      %parallel_loop3A_501 = vector.shape_cast %parallel_loop3A_500 : vector<1x16xf32> to vector<16xf32>
      %parallel_loop3A_502 = arith.constant 3 : i32
      %parallel_loop3A_503 = arith.addi %parallel_loop3A_484, %parallel_loop3A_502 : i32
      %parallel_loop3A_504 = arith.index_cast %parallel_loop3A_503 : i32 to index
      %parallel_loop3A_505 = arith.constant 0 : index
      %parallel_loop3A_506 = tpu.vector_load %arg7[%parallel_loop3A_504, %parallel_loop3A_505] {strides = array<i32>} : memref<768x32xf32, #tpu.memory_space<vmem>>, vector<1x16xf32>,
      %parallel_loop3A_507 = vector.shape_cast %parallel_loop3A_506 : vector<1x16xf32> to vector<16xf32>
      %parallel_loop3A_508 = arith.addf %parallel_loop3A_501, %parallel_loop3A_507 : vector<16xf32>
      %parallel_loop3A_509 = arith.addf %parallel_loop3A_495, %parallel_loop3A_508 : vector<16xf32>
      %parallel_loop3A_510 = arith.constant 4 : i32
      %parallel_loop3A_511 = arith.addi %parallel_loop3A_484, %parallel_loop3A_510 : i32
      %parallel_loop3A_512 = arith.index_cast %parallel_loop3A_511 : i32 to index
      %parallel_loop3A_513 = arith.constant 0 : index
      %parallel_loop3A_514 = tpu.vector_load %arg7[%parallel_loop3A_512, %parallel_loop3A_513] {strides = array<i32>} : memref<768x32xf32, #tpu.memory_space<vmem>>, vector<1x16xf32>,
      %parallel_loop3A_515 = vector.shape_cast %parallel_loop3A_514 : vector<1x16xf32> to vector<16xf32>
      %parallel_loop3A_516 = arith.constant 5 : i32
      %parallel_loop3A_517 = arith.addi %parallel_loop3A_484, %parallel_loop3A_516 : i32
      %parallel_loop3A_518 = arith.index_cast %parallel_loop3A_517 : i32 to index
      %parallel_loop3A_519 = arith.constant 0 : index
      %parallel_loop3A_520 = tpu.vector_load %arg7[%parallel_loop3A_518, %parallel_loop3A_519] {strides = array<i32>} : memref<768x32xf32, #tpu.memory_space<vmem>>, vector<1x16xf32>,
      %parallel_loop3A_521 = vector.shape_cast %parallel_loop3A_520 : vector<1x16xf32> to vector<16xf32>
      %parallel_loop3A_522 = arith.addf %parallel_loop3A_515, %parallel_loop3A_521 : vector<16xf32>
      %parallel_loop3A_523 = arith.addf %parallel_loop3A_509, %parallel_loop3A_522 : vector<16xf32>
      %parallel_loop3A_524 = arith.index_cast %parallel_loop3A_482 : i32 to index
      %parallel_loop3A_525 = arith.constant 0 : index
      %parallel_loop3A_526 = tpu.vector_load %arg9[%parallel_loop3A_524, %parallel_loop3A_525] {strides = array<i32>} : memref<128x32xf32, #tpu.memory_space<vmem>>, vector<1x16xf32>,
      %parallel_loop3A_527 = vector.shape_cast %parallel_loop3A_526 : vector<1x16xf32> to vector<16xf32>
      %parallel_loop3A_528 = vector.shape_cast %parallel_loop3A_523 : vector<16xf32> to vector<1x16xf32>
      tpu.vector_store %arg9[%parallel_loop3A_524, %parallel_loop3A_525], %parallel_loop3A_528 {strides = array<i32>} : memref<128x32xf32, #tpu.memory_space<vmem>>, vector<1x16xf32>,
      %parallel_loop3A_529 = arith.index_cast %parallel_loop3A_484 : i32 to index
      %parallel_loop3A_530 = arith.constant 16 : index
      %parallel_loop3A_531 = tpu.vector_load %arg7[%parallel_loop3A_529, %parallel_loop3A_530] {strides = array<i32>} : memref<768x32xf32, #tpu.memory_space<vmem>>, vector<1x16xf32>,
      %parallel_loop3A_532 = vector.shape_cast %parallel_loop3A_531 : vector<1x16xf32> to vector<16xf32>
      %parallel_loop3A_533 = arith.constant 1 : i32
      %parallel_loop3A_534 = arith.addi %parallel_loop3A_484, %parallel_loop3A_533 : i32
      %parallel_loop3A_535 = arith.index_cast %parallel_loop3A_534 : i32 to index
      %parallel_loop3A_536 = arith.constant 16 : index
      %parallel_loop3A_537 = tpu.vector_load %arg7[%parallel_loop3A_535, %parallel_loop3A_536] {strides = array<i32>} : memref<768x32xf32, #tpu.memory_space<vmem>>, vector<1x16xf32>,
      %parallel_loop3A_538 = vector.shape_cast %parallel_loop3A_537 : vector<1x16xf32> to vector<16xf32>
      %parallel_loop3A_539 = arith.addf %parallel_loop3A_532, %parallel_loop3A_538 : vector<16xf32>
      %parallel_loop3A_540 = arith.constant 2 : i32
      %parallel_loop3A_541 = arith.addi %parallel_loop3A_484, %parallel_loop3A_540 : i32
      %parallel_loop3A_542 = arith.index_cast %parallel_loop3A_541 : i32 to index
      %parallel_loop3A_543 = arith.constant 16 : index
      %parallel_loop3A_544 = tpu.vector_load %arg7[%parallel_loop3A_542, %parallel_loop3A_543] {strides = array<i32>} : memref<768x32xf32, #tpu.memory_space<vmem>>, vector<1x16xf32>,
      %parallel_loop3A_545 = vector.shape_cast %parallel_loop3A_544 : vector<1x16xf32> to vector<16xf32>
      %parallel_loop3A_546 = arith.constant 3 : i32
      %parallel_loop3A_547 = arith.addi %parallel_loop3A_484, %parallel_loop3A_546 : i32
      %parallel_loop3A_548 = arith.index_cast %parallel_loop3A_547 : i32 to index
      %parallel_loop3A_549 = arith.constant 16 : index
      %parallel_loop3A_550 = tpu.vector_load %arg7[%parallel_loop3A_548, %parallel_loop3A_549] {strides = array<i32>} : memref<768x32xf32, #tpu.memory_space<vmem>>, vector<1x16xf32>,
      %parallel_loop3A_551 = vector.shape_cast %parallel_loop3A_550 : vector<1x16xf32> to vector<16xf32>
      %parallel_loop3A_552 = arith.addf %parallel_loop3A_545, %parallel_loop3A_551 : vector<16xf32>
      %parallel_loop3A_553 = arith.addf %parallel_loop3A_539, %parallel_loop3A_552 : vector<16xf32>
      %parallel_loop3A_554 = arith.constant 4 : i32
      %parallel_loop3A_555 = arith.addi %parallel_loop3A_484, %parallel_loop3A_554 : i32
      %parallel_loop3A_556 = arith.index_cast %parallel_loop3A_555 : i32 to index
      %parallel_loop3A_557 = arith.constant 16 : index
      %parallel_loop3A_558 = tpu.vector_load %arg7[%parallel_loop3A_556, %parallel_loop3A_557] {strides = array<i32>} : memref<768x32xf32, #tpu.memory_space<vmem>>, vector<1x16xf32>,
      %parallel_loop3A_559 = vector.shape_cast %parallel_loop3A_558 : vector<1x16xf32> to vector<16xf32>
      %parallel_loop3A_560 = arith.constant 5 : i32
      %parallel_loop3A_561 = arith.addi %parallel_loop3A_484, %parallel_loop3A_560 : i32
      %parallel_loop3A_562 = arith.index_cast %parallel_loop3A_561 : i32 to index
      %parallel_loop3A_563 = arith.constant 16 : index
      %parallel_loop3A_564 = tpu.vector_load %arg7[%parallel_loop3A_562, %parallel_loop3A_563] {strides = array<i32>} : memref<768x32xf32, #tpu.memory_space<vmem>>, vector<1x16xf32>,
      %parallel_loop3A_565 = vector.shape_cast %parallel_loop3A_564 : vector<1x16xf32> to vector<16xf32>
      %parallel_loop3A_566 = arith.addf %parallel_loop3A_559, %parallel_loop3A_565 : vector<16xf32>
      %parallel_loop3A_567 = arith.addf %parallel_loop3A_553, %parallel_loop3A_566 : vector<16xf32>
      %parallel_loop3A_568 = arith.index_cast %parallel_loop3A_482 : i32 to index
      %parallel_loop3A_569 = arith.constant 16 : index
      %parallel_loop3A_570 = tpu.vector_load %arg9[%parallel_loop3A_568, %parallel_loop3A_569] {strides = array<i32>} : memref<128x32xf32, #tpu.memory_space<vmem>>, vector<1x16xf32>,
      %parallel_loop3A_571 = vector.shape_cast %parallel_loop3A_570 : vector<1x16xf32> to vector<16xf32>
      %parallel_loop3A_572 = vector.shape_cast %parallel_loop3A_567 : vector<16xf32> to vector<1x16xf32>
      tpu.vector_store %arg9[%parallel_loop3A_568, %parallel_loop3A_569], %parallel_loop3A_572 {strides = array<i32>} : memref<128x32xf32, #tpu.memory_space<vmem>>, vector<1x16xf32>,
    } {sc.loop_unroll_factor = 4 : i64, sc.parallel_access}
    %mul3A_403 = arith.constant 512 : i32
    %mul3A_404 = arith.muli %add3A, %mul3A_403 : i32
    %add3A_405 = arith.constant 256 : i32
    %add3A_406 = arith.addi %mul3A_404, %add3A_405 : i32
    %dma_start3A_407 = arith.constant 0 : i32
    %dma_start3A_408 = tpu.memref_slice %arg4[%add3A_406, %dma_start3A_407] : memref<16384x32xf32, #tpu.memory_space<hbm>> -> memref<128x32xf32, #tpu.memory_space<hbm>>
    %dma_start3A_409 = arith.constant 0 : i32
    %dma_start3A_410 = tpu.memref_slice %arg4[%add3A_406, %dma_start3A_409] : memref<16384x32xf32, #tpu.memory_space<hbm>> -> memref<128x32xf32, #tpu.memory_space<hbm>>
    tpu.enqueue_dma source(%arg9 : memref<128x32xf32, #tpu.memory_space<vmem>>) target(%dma_start3A_410 : memref<128x32xf32, #tpu.memory_space<hbm>>) target_semaphore(%arg15 : memref<!tpu.dma_semaphore, #tpu.memory_space<semaphore_mem>>)
    %dma_wait3A_411 = arith.constant 0 : i32
    %dma_wait3A_412 = arith.constant 0 : i32
    %dma_wait3A_413 = tpu.memref_slice %arg8[%dma_wait3A_411, %dma_wait3A_412] : memref<768x32xf32, #tpu.memory_space<vmem>> -> memref<128x32xf32, #tpu.memory_space<vmem>>
    %dma_wait3A_414 = arith.constant 0 : i32
    %dma_wait3A_415 = tpu.memref_slice %arg6[%dma_wait3A_414] : memref<768xi32, #tpu.memory_space<vmem>> -> memref<128xi32, #tpu.memory_space<vmem>>
    %dma_wait3A_416 = arith.constant 0 : i32
    %dma_wait3A_417 = arith.constant 0 : i32
    %dma_wait3A_418 = tpu.memref_slice %arg3[%dma_wait3A_416, %dma_wait3A_417] : memref<16384x32xf32, #tpu.memory_space<hbm>> -> memref<16384x32xf32, #tpu.memory_space<hbm>>
    tpu.wait_indirect_dma semaphore(%arg14 : memref<!tpu.dma_semaphore, #tpu.memory_space<semaphore_mem>>) src(%dma_wait3A_418 : memref<16384x32xf32, #tpu.memory_space<hbm>>) dst(%dma_wait3A_413 : memref<128x32xf32, #tpu.memory_space<vmem>>)
    %dma_wait3A_419 = arith.constant 128 : i32
    %dma_wait3A_420 = arith.constant 0 : i32
    %dma_wait3A_421 = tpu.memref_slice %arg8[%dma_wait3A_419, %dma_wait3A_420] : memref<768x32xf32, #tpu.memory_space<vmem>> -> memref<128x32xf32, #tpu.memory_space<vmem>>
    %dma_wait3A_422 = arith.constant 128 : i32
    %dma_wait3A_423 = tpu.memref_slice %arg6[%dma_wait3A_422] : memref<768xi32, #tpu.memory_space<vmem>> -> memref<128xi32, #tpu.memory_space<vmem>>
    %dma_wait3A_424 = arith.constant 0 : i32
    %dma_wait3A_425 = arith.constant 0 : i32
    %dma_wait3A_426 = tpu.memref_slice %arg3[%dma_wait3A_424, %dma_wait3A_425] : memref<16384x32xf32, #tpu.memory_space<hbm>> -> memref<16384x32xf32, #tpu.memory_space<hbm>>
    tpu.wait_indirect_dma semaphore(%arg14 : memref<!tpu.dma_semaphore, #tpu.memory_space<semaphore_mem>>) src(%dma_wait3A_426 : memref<16384x32xf32, #tpu.memory_space<hbm>>) dst(%dma_wait3A_421 : memref<128x32xf32, #tpu.memory_space<vmem>>)
    %dma_wait3A_427 = arith.constant 256 : i32
    %dma_wait3A_428 = arith.constant 0 : i32
    %dma_wait3A_429 = tpu.memref_slice %arg8[%dma_wait3A_427, %dma_wait3A_428] : memref<768x32xf32, #tpu.memory_space<vmem>> -> memref<128x32xf32, #tpu.memory_space<vmem>>
    %dma_wait3A_430 = arith.constant 256 : i32
    %dma_wait3A_431 = tpu.memref_slice %arg6[%dma_wait3A_430] : memref<768xi32, #tpu.memory_space<vmem>> -> memref<128xi32, #tpu.memory_space<vmem>>
    %dma_wait3A_432 = arith.constant 0 : i32
    %dma_wait3A_433 = arith.constant 0 : i32
    %dma_wait3A_434 = tpu.memref_slice %arg3[%dma_wait3A_432, %dma_wait3A_433] : memref<16384x32xf32, #tpu.memory_space<hbm>> -> memref<16384x32xf32, #tpu.memory_space<hbm>>
    tpu.wait_indirect_dma semaphore(%arg14 : memref<!tpu.dma_semaphore, #tpu.memory_space<semaphore_mem>>) src(%dma_wait3A_434 : memref<16384x32xf32, #tpu.memory_space<hbm>>) dst(%dma_wait3A_429 : memref<128x32xf32, #tpu.memory_space<vmem>>)
    %dma_wait3A_435 = arith.constant 384 : i32
    %dma_wait3A_436 = arith.constant 0 : i32
    %dma_wait3A_437 = tpu.memref_slice %arg8[%dma_wait3A_435, %dma_wait3A_436] : memref<768x32xf32, #tpu.memory_space<vmem>> -> memref<128x32xf32, #tpu.memory_space<vmem>>
    %dma_wait3A_438 = arith.constant 384 : i32
    %dma_wait3A_439 = tpu.memref_slice %arg6[%dma_wait3A_438] : memref<768xi32, #tpu.memory_space<vmem>> -> memref<128xi32, #tpu.memory_space<vmem>>
    %dma_wait3A_440 = arith.constant 0 : i32
    %dma_wait3A_441 = arith.constant 0 : i32
    %dma_wait3A_442 = tpu.memref_slice %arg3[%dma_wait3A_440, %dma_wait3A_441] : memref<16384x32xf32, #tpu.memory_space<hbm>> -> memref<16384x32xf32, #tpu.memory_space<hbm>>
    tpu.wait_indirect_dma semaphore(%arg14 : memref<!tpu.dma_semaphore, #tpu.memory_space<semaphore_mem>>) src(%dma_wait3A_442 : memref<16384x32xf32, #tpu.memory_space<hbm>>) dst(%dma_wait3A_437 : memref<128x32xf32, #tpu.memory_space<vmem>>)
    %dma_wait3A_443 = arith.constant 512 : i32
    %dma_wait3A_444 = arith.constant 0 : i32
    %dma_wait3A_445 = tpu.memref_slice %arg8[%dma_wait3A_443, %dma_wait3A_444] : memref<768x32xf32, #tpu.memory_space<vmem>> -> memref<128x32xf32, #tpu.memory_space<vmem>>
    %dma_wait3A_446 = arith.constant 512 : i32
    %dma_wait3A_447 = tpu.memref_slice %arg6[%dma_wait3A_446] : memref<768xi32, #tpu.memory_space<vmem>> -> memref<128xi32, #tpu.memory_space<vmem>>
    %dma_wait3A_448 = arith.constant 0 : i32
    %dma_wait3A_449 = arith.constant 0 : i32
    %dma_wait3A_450 = tpu.memref_slice %arg3[%dma_wait3A_448, %dma_wait3A_449] : memref<16384x32xf32, #tpu.memory_space<hbm>> -> memref<16384x32xf32, #tpu.memory_space<hbm>>
    tpu.wait_indirect_dma semaphore(%arg14 : memref<!tpu.dma_semaphore, #tpu.memory_space<semaphore_mem>>) src(%dma_wait3A_450 : memref<16384x32xf32, #tpu.memory_space<hbm>>) dst(%dma_wait3A_445 : memref<128x32xf32, #tpu.memory_space<vmem>>)
    %dma_wait3A_451 = arith.constant 640 : i32
    %dma_wait3A_452 = arith.constant 0 : i32
    %dma_wait3A_453 = tpu.memref_slice %arg8[%dma_wait3A_451, %dma_wait3A_452] : memref<768x32xf32, #tpu.memory_space<vmem>> -> memref<128x32xf32, #tpu.memory_space<vmem>>
    %dma_wait3A_454 = arith.constant 640 : i32
    %dma_wait3A_455 = tpu.memref_slice %arg6[%dma_wait3A_454] : memref<768xi32, #tpu.memory_space<vmem>> -> memref<128xi32, #tpu.memory_space<vmem>>
    %dma_wait3A_456 = arith.constant 0 : i32
    %dma_wait3A_457 = arith.constant 0 : i32
    %dma_wait3A_458 = tpu.memref_slice %arg3[%dma_wait3A_456, %dma_wait3A_457] : memref<16384x32xf32, #tpu.memory_space<hbm>> -> memref<16384x32xf32, #tpu.memory_space<hbm>>
    tpu.wait_indirect_dma semaphore(%arg14 : memref<!tpu.dma_semaphore, #tpu.memory_space<semaphore_mem>>) src(%dma_wait3A_458 : memref<16384x32xf32, #tpu.memory_space<hbm>>) dst(%dma_wait3A_453 : memref<128x32xf32, #tpu.memory_space<vmem>>)
    %dma_wait3A_459 = arith.constant 0 : i32
    %dma_wait3A_460 = tpu.memref_slice %arg4[%add3A_293, %dma_wait3A_459] : memref<16384x32xf32, #tpu.memory_space<hbm>> -> memref<128x32xf32, #tpu.memory_space<hbm>>
    %dma_wait3A_461 = arith.constant 0 : i32
    %dma_wait3A_462 = tpu.memref_slice %arg4[%add3A_293, %dma_wait3A_461] : memref<16384x32xf32, #tpu.memory_space<hbm>> -> memref<128x32xf32, #tpu.memory_space<hbm>>
    tpu.wait_dma2 semaphore(%arg15 : memref<!tpu.dma_semaphore, #tpu.memory_space<semaphore_mem>>) src(%arg10 : memref<128x32xf32, #tpu.memory_space<vmem>>) dst(%dma_wait3A_462 : memref<128x32xf32, #tpu.memory_space<hbm>>)
    %parallel_loop3A_463 = arith.constant 0 : i32
    %parallel_loop3A_464 = arith.constant 128 : i32
    %parallel_loop3A_465 = arith.constant 1 : i32
    scf.for %parallel_loop3A_482 = %parallel_loop3A_463 to %parallel_loop3A_464 step %parallel_loop3A_465  : i32 {
      %parallel_loop3A_483 = arith.constant 6 : i32
      %parallel_loop3A_484 = arith.muli %parallel_loop3A_482, %parallel_loop3A_483 : i32
      %parallel_loop3A_485 = arith.index_cast %parallel_loop3A_484 : i32 to index
      %parallel_loop3A_486 = arith.constant 0 : index
      %parallel_loop3A_487 = tpu.vector_load %arg8[%parallel_loop3A_485, %parallel_loop3A_486] {strides = array<i32>} : memref<768x32xf32, #tpu.memory_space<vmem>>, vector<1x16xf32>,
      %parallel_loop3A_488 = vector.shape_cast %parallel_loop3A_487 : vector<1x16xf32> to vector<16xf32>
      %parallel_loop3A_489 = arith.constant 1 : i32
      %parallel_loop3A_490 = arith.addi %parallel_loop3A_484, %parallel_loop3A_489 : i32
      %parallel_loop3A_491 = arith.index_cast %parallel_loop3A_490 : i32 to index
      %parallel_loop3A_492 = arith.constant 0 : index
      %parallel_loop3A_493 = tpu.vector_load %arg8[%parallel_loop3A_491, %parallel_loop3A_492] {strides = array<i32>} : memref<768x32xf32, #tpu.memory_space<vmem>>, vector<1x16xf32>,
      %parallel_loop3A_494 = vector.shape_cast %parallel_loop3A_493 : vector<1x16xf32> to vector<16xf32>
      %parallel_loop3A_495 = arith.addf %parallel_loop3A_488, %parallel_loop3A_494 : vector<16xf32>
      %parallel_loop3A_496 = arith.constant 2 : i32
      %parallel_loop3A_497 = arith.addi %parallel_loop3A_484, %parallel_loop3A_496 : i32
      %parallel_loop3A_498 = arith.index_cast %parallel_loop3A_497 : i32 to index
      %parallel_loop3A_499 = arith.constant 0 : index
      %parallel_loop3A_500 = tpu.vector_load %arg8[%parallel_loop3A_498, %parallel_loop3A_499] {strides = array<i32>} : memref<768x32xf32, #tpu.memory_space<vmem>>, vector<1x16xf32>,
      %parallel_loop3A_501 = vector.shape_cast %parallel_loop3A_500 : vector<1x16xf32> to vector<16xf32>
      %parallel_loop3A_502 = arith.constant 3 : i32
      %parallel_loop3A_503 = arith.addi %parallel_loop3A_484, %parallel_loop3A_502 : i32
      %parallel_loop3A_504 = arith.index_cast %parallel_loop3A_503 : i32 to index
      %parallel_loop3A_505 = arith.constant 0 : index
      %parallel_loop3A_506 = tpu.vector_load %arg8[%parallel_loop3A_504, %parallel_loop3A_505] {strides = array<i32>} : memref<768x32xf32, #tpu.memory_space<vmem>>, vector<1x16xf32>,
      %parallel_loop3A_507 = vector.shape_cast %parallel_loop3A_506 : vector<1x16xf32> to vector<16xf32>
      %parallel_loop3A_508 = arith.addf %parallel_loop3A_501, %parallel_loop3A_507 : vector<16xf32>
      %parallel_loop3A_509 = arith.addf %parallel_loop3A_495, %parallel_loop3A_508 : vector<16xf32>
      %parallel_loop3A_510 = arith.constant 4 : i32
      %parallel_loop3A_511 = arith.addi %parallel_loop3A_484, %parallel_loop3A_510 : i32
      %parallel_loop3A_512 = arith.index_cast %parallel_loop3A_511 : i32 to index
      %parallel_loop3A_513 = arith.constant 0 : index
      %parallel_loop3A_514 = tpu.vector_load %arg8[%parallel_loop3A_512, %parallel_loop3A_513] {strides = array<i32>} : memref<768x32xf32, #tpu.memory_space<vmem>>, vector<1x16xf32>,
      %parallel_loop3A_515 = vector.shape_cast %parallel_loop3A_514 : vector<1x16xf32> to vector<16xf32>
      %parallel_loop3A_516 = arith.constant 5 : i32
      %parallel_loop3A_517 = arith.addi %parallel_loop3A_484, %parallel_loop3A_516 : i32
      %parallel_loop3A_518 = arith.index_cast %parallel_loop3A_517 : i32 to index
      %parallel_loop3A_519 = arith.constant 0 : index
      %parallel_loop3A_520 = tpu.vector_load %arg8[%parallel_loop3A_518, %parallel_loop3A_519] {strides = array<i32>} : memref<768x32xf32, #tpu.memory_space<vmem>>, vector<1x16xf32>,
      %parallel_loop3A_521 = vector.shape_cast %parallel_loop3A_520 : vector<1x16xf32> to vector<16xf32>
      %parallel_loop3A_522 = arith.addf %parallel_loop3A_515, %parallel_loop3A_521 : vector<16xf32>
      %parallel_loop3A_523 = arith.addf %parallel_loop3A_509, %parallel_loop3A_522 : vector<16xf32>
      %parallel_loop3A_524 = arith.index_cast %parallel_loop3A_482 : i32 to index
      %parallel_loop3A_525 = arith.constant 0 : index
      %parallel_loop3A_526 = tpu.vector_load %arg10[%parallel_loop3A_524, %parallel_loop3A_525] {strides = array<i32>} : memref<128x32xf32, #tpu.memory_space<vmem>>, vector<1x16xf32>,
      %parallel_loop3A_527 = vector.shape_cast %parallel_loop3A_526 : vector<1x16xf32> to vector<16xf32>
      %parallel_loop3A_528 = vector.shape_cast %parallel_loop3A_523 : vector<16xf32> to vector<1x16xf32>
      tpu.vector_store %arg10[%parallel_loop3A_524, %parallel_loop3A_525], %parallel_loop3A_528 {strides = array<i32>} : memref<128x32xf32, #tpu.memory_space<vmem>>, vector<1x16xf32>,
      %parallel_loop3A_529 = arith.index_cast %parallel_loop3A_484 : i32 to index
      %parallel_loop3A_530 = arith.constant 16 : index
      %parallel_loop3A_531 = tpu.vector_load %arg8[%parallel_loop3A_529, %parallel_loop3A_530] {strides = array<i32>} : memref<768x32xf32, #tpu.memory_space<vmem>>, vector<1x16xf32>,
      %parallel_loop3A_532 = vector.shape_cast %parallel_loop3A_531 : vector<1x16xf32> to vector<16xf32>
      %parallel_loop3A_533 = arith.constant 1 : i32
      %parallel_loop3A_534 = arith.addi %parallel_loop3A_484, %parallel_loop3A_533 : i32
      %parallel_loop3A_535 = arith.index_cast %parallel_loop3A_534 : i32 to index
      %parallel_loop3A_536 = arith.constant 16 : index
      %parallel_loop3A_537 = tpu.vector_load %arg8[%parallel_loop3A_535, %parallel_loop3A_536] {strides = array<i32>} : memref<768x32xf32, #tpu.memory_space<vmem>>, vector<1x16xf32>,
      %parallel_loop3A_538 = vector.shape_cast %parallel_loop3A_537 : vector<1x16xf32> to vector<16xf32>
      %parallel_loop3A_539 = arith.addf %parallel_loop3A_532, %parallel_loop3A_538 : vector<16xf32>
      %parallel_loop3A_540 = arith.constant 2 : i32
      %parallel_loop3A_541 = arith.addi %parallel_loop3A_484, %parallel_loop3A_540 : i32
      %parallel_loop3A_542 = arith.index_cast %parallel_loop3A_541 : i32 to index
      %parallel_loop3A_543 = arith.constant 16 : index
      %parallel_loop3A_544 = tpu.vector_load %arg8[%parallel_loop3A_542, %parallel_loop3A_543] {strides = array<i32>} : memref<768x32xf32, #tpu.memory_space<vmem>>, vector<1x16xf32>,
      %parallel_loop3A_545 = vector.shape_cast %parallel_loop3A_544 : vector<1x16xf32> to vector<16xf32>
      %parallel_loop3A_546 = arith.constant 3 : i32
      %parallel_loop3A_547 = arith.addi %parallel_loop3A_484, %parallel_loop3A_546 : i32
      %parallel_loop3A_548 = arith.index_cast %parallel_loop3A_547 : i32 to index
      %parallel_loop3A_549 = arith.constant 16 : index
      %parallel_loop3A_550 = tpu.vector_load %arg8[%parallel_loop3A_548, %parallel_loop3A_549] {strides = array<i32>} : memref<768x32xf32, #tpu.memory_space<vmem>>, vector<1x16xf32>,
      %parallel_loop3A_551 = vector.shape_cast %parallel_loop3A_550 : vector<1x16xf32> to vector<16xf32>
      %parallel_loop3A_552 = arith.addf %parallel_loop3A_545, %parallel_loop3A_551 : vector<16xf32>
      %parallel_loop3A_553 = arith.addf %parallel_loop3A_539, %parallel_loop3A_552 : vector<16xf32>
      %parallel_loop3A_554 = arith.constant 4 : i32
      %parallel_loop3A_555 = arith.addi %parallel_loop3A_484, %parallel_loop3A_554 : i32
      %parallel_loop3A_556 = arith.index_cast %parallel_loop3A_555 : i32 to index
      %parallel_loop3A_557 = arith.constant 16 : index
      %parallel_loop3A_558 = tpu.vector_load %arg8[%parallel_loop3A_556, %parallel_loop3A_557] {strides = array<i32>} : memref<768x32xf32, #tpu.memory_space<vmem>>, vector<1x16xf32>,
      %parallel_loop3A_559 = vector.shape_cast %parallel_loop3A_558 : vector<1x16xf32> to vector<16xf32>
      %parallel_loop3A_560 = arith.constant 5 : i32
      %parallel_loop3A_561 = arith.addi %parallel_loop3A_484, %parallel_loop3A_560 : i32
      %parallel_loop3A_562 = arith.index_cast %parallel_loop3A_561 : i32 to index
      %parallel_loop3A_563 = arith.constant 16 : index
      %parallel_loop3A_564 = tpu.vector_load %arg8[%parallel_loop3A_562, %parallel_loop3A_563] {strides = array<i32>} : memref<768x32xf32, #tpu.memory_space<vmem>>, vector<1x16xf32>,
      %parallel_loop3A_565 = vector.shape_cast %parallel_loop3A_564 : vector<1x16xf32> to vector<16xf32>
      %parallel_loop3A_566 = arith.addf %parallel_loop3A_559, %parallel_loop3A_565 : vector<16xf32>
      %parallel_loop3A_567 = arith.addf %parallel_loop3A_553, %parallel_loop3A_566 : vector<16xf32>
      %parallel_loop3A_568 = arith.index_cast %parallel_loop3A_482 : i32 to index
      %parallel_loop3A_569 = arith.constant 16 : index
      %parallel_loop3A_570 = tpu.vector_load %arg10[%parallel_loop3A_568, %parallel_loop3A_569] {strides = array<i32>} : memref<128x32xf32, #tpu.memory_space<vmem>>, vector<1x16xf32>,
      %parallel_loop3A_571 = vector.shape_cast %parallel_loop3A_570 : vector<1x16xf32> to vector<16xf32>
      %parallel_loop3A_572 = vector.shape_cast %parallel_loop3A_567 : vector<16xf32> to vector<1x16xf32>
      tpu.vector_store %arg10[%parallel_loop3A_568, %parallel_loop3A_569], %parallel_loop3A_572 {strides = array<i32>} : memref<128x32xf32, #tpu.memory_space<vmem>>, vector<1x16xf32>,
    } {sc.loop_unroll_factor = 4 : i64, sc.parallel_access}
    %mul3A_466 = arith.constant 512 : i32
    %mul3A_467 = arith.muli %add3A, %mul3A_466 : i32
    %add3A_468 = arith.constant 384 : i32
    %add3A_469 = arith.addi %mul3A_467, %add3A_468 : i32
    %dma_start3A_470 = arith.constant 0 : i32
    %dma_start3A_471 = tpu.memref_slice %arg4[%add3A_469, %dma_start3A_470] : memref<16384x32xf32, #tpu.memory_space<hbm>> -> memref<128x32xf32, #tpu.memory_space<hbm>>
    %dma_start3A_472 = arith.constant 0 : i32
    %dma_start3A_473 = tpu.memref_slice %arg4[%add3A_469, %dma_start3A_472] : memref<16384x32xf32, #tpu.memory_space<hbm>> -> memref<128x32xf32, #tpu.memory_space<hbm>>
    tpu.enqueue_dma source(%arg10 : memref<128x32xf32, #tpu.memory_space<vmem>>) target(%dma_start3A_473 : memref<128x32xf32, #tpu.memory_space<hbm>>) target_semaphore(%arg15 : memref<!tpu.dma_semaphore, #tpu.memory_space<semaphore_mem>>)
    %dma_wait3A_474 = arith.constant 0 : i32
    %dma_wait3A_475 = tpu.memref_slice %arg4[%add3A_406, %dma_wait3A_474] : memref<16384x32xf32, #tpu.memory_space<hbm>> -> memref<128x32xf32, #tpu.memory_space<hbm>>
    %dma_wait3A_476 = arith.constant 0 : i32
    %dma_wait3A_477 = tpu.memref_slice %arg4[%add3A_406, %dma_wait3A_476] : memref<16384x32xf32, #tpu.memory_space<hbm>> -> memref<128x32xf32, #tpu.memory_space<hbm>>
    tpu.wait_dma2 semaphore(%arg15 : memref<!tpu.dma_semaphore, #tpu.memory_space<semaphore_mem>>) src(%arg9 : memref<128x32xf32, #tpu.memory_space<vmem>>) dst(%dma_wait3A_477 : memref<128x32xf32, #tpu.memory_space<hbm>>)
    %dma_wait3A_478 = arith.constant 0 : i32
    %dma_wait3A_479 = tpu.memref_slice %arg4[%add3A_469, %dma_wait3A_478] : memref<16384x32xf32, #tpu.memory_space<hbm>> -> memref<128x32xf32, #tpu.memory_space<hbm>>
    %dma_wait3A_480 = arith.constant 0 : i32
    %dma_wait3A_481 = tpu.memref_slice %arg4[%add3A_469, %dma_wait3A_480] : memref<16384x32xf32, #tpu.memory_space<hbm>> -> memref<128x32xf32, #tpu.memory_space<hbm>>
    tpu.wait_dma2 semaphore(%arg15 : memref<!tpu.dma_semaphore, #tpu.memory_space<semaphore_mem>>) src(%arg10 : memref<128x32xf32, #tpu.memory_space<vmem>>) dst(%dma_wait3A_481 : memref<128x32xf32, #tpu.memory_space<hbm>>)
    return
  }
}

module attributes {stable_mosaic.version = 14 : i64} {
  func.func @_knn_body(%arg0: i32, %arg1: i32, %arg2: memref<1x1024x66xf32, #tpu.memory_space<vmem>>, %arg3: memref<1x2x2048xf32, #tpu.memory_space<vmem>>, %arg4: memref<64x32xf32, #tpu.memory_space<vmem>>, %arg5: memref<1x32xf32, #tpu.memory_space<vmem>>, %arg6: memref<1x1024x6xi32, #tpu.memory_space<vmem>>, %arg7: memref<1x1024x32xf32, #tpu.memory_space<vmem>>) attributes {dimension_semantics = [#tpu.dimension_semantics<arbitrary>, #tpu.dimension_semantics<arbitrary>], iteration_bounds = array<i64: 8, 2>, scalar_prefetch = 0 : i64, scratch_operands = 0 : i64, tpu.core_type = #tpu.core_type<tc>, window_params = [{transform_indices = @transform_0, window_bounds = array<i64: 1, 1024, 66>}, {transform_indices = @transform_1, window_bounds = array<i64: 1, 2, 2048>}, {pipeline_mode = #tpu.pipeline_mode<synchronous>, transform_indices = @transform_2, window_bounds = array<i64: 64, 32>}, {pipeline_mode = #tpu.pipeline_mode<synchronous>, transform_indices = @transform_3, window_bounds = array<i64: 1, 32>}, {transform_indices = @transform_4, window_bounds = array<i64: 1, 1024, 6>}, {transform_indices = @transform_5, window_bounds = array<i64: 1, 1024, 32>}]} {
    %get3A = arith.constant 0 : index
    %get3A_0 = arith.constant 0 : index
    %get3A_1 = arith.constant 0 : index
    %get3A_2 = vector.load %arg2[%get3A, %get3A_0, %get3A_1] : memref<1x1024x66xf32, #tpu.memory_space<vmem>>, vector<1x1024x66xf32>
    %get3A_3 = vector.shape_cast %get3A_2 : vector<1x1024x66xf32> to vector<1024x66xf32>
    %get3A_4 = arith.constant 0 : index
    %get3A_5 = arith.constant 0 : index
    %get3A_6 = arith.constant 0 : index
    %get3A_7 = vector.load %arg3[%get3A_4, %get3A_5, %get3A_6] : memref<1x2x2048xf32, #tpu.memory_space<vmem>>, vector<1x2x2048xf32>
    %get3A_8 = vector.shape_cast %get3A_7 : vector<1x2x2048xf32> to vector<2x2048xf32>
    %slice3A = vector.extract_strided_slice %get3A_3 {offsets = [0, 0], sizes = [1024, 1], strides = [1, 1]} : vector<1024x66xf32> to vector<1024x1xf32>
    %slice3A_9 = vector.extract_strided_slice %get3A_3 {offsets = [0, 1], sizes = [1024, 1], strides = [1, 1]} : vector<1024x66xf32> to vector<1024x1xf32>
    %slice3A_10 = vector.extract_strided_slice %get3A_8 {offsets = [0, 0], sizes = [1, 2048], strides = [1, 1]} : vector<2x2048xf32> to vector<1x2048xf32>
    %sub3A = vector.broadcast %slice3A : vector<1024x1xf32> to vector<1024x2048xf32>
    %sub3A_11 = vector.broadcast %slice3A_10 : vector<1x2048xf32> to vector<1024x2048xf32>
    %sub3A_12 = arith.subf %sub3A, %sub3A_11 : vector<1024x2048xf32>
    %slice3A_13 = vector.extract_strided_slice %get3A_8 {offsets = [1, 0], sizes = [1, 2048], strides = [1, 1]} : vector<2x2048xf32> to vector<1x2048xf32>
    %sub3A_14 = vector.broadcast %slice3A_9 : vector<1024x1xf32> to vector<1024x2048xf32>
    %sub3A_15 = vector.broadcast %slice3A_13 : vector<1x2048xf32> to vector<1024x2048xf32>
    %sub3A_16 = arith.subf %sub3A_14, %sub3A_15 : vector<1024x2048xf32>
    %mul3A = arith.mulf %sub3A_12, %sub3A_12 : vector<1024x2048xf32>
    %mul3A_17 = arith.mulf %sub3A_16, %sub3A_16 : vector<1024x2048xf32>
    %add3A = arith.addf %mul3A, %mul3A_17 : vector<1024x2048xf32>
    %iota3A = tpu.iota {dimensions = array<i32: 1>} : vector<1024x2048xi32>
    %iota3A_18 = tpu.iota {dimensions = array<i32: 0>} : vector<1024x2048xi32>
    %mul3A_19 = arith.constant 1024 : i32
    %mul3A_20 = arith.muli %arg1, %mul3A_19 : i32
    %add3A_21 = vector.broadcast %mul3A_20 : i32 to vector<1024x2048xi32>
    %add3A_22 = arith.addi %iota3A_18, %add3A_21 : vector<1024x2048xi32>
    %convert_element_type3A = arith.sitofp %iota3A : vector<1024x2048xi32> to vector<1024x2048xf32>
    %eq3A = arith.cmpi eq, %iota3A, %add3A_22 : vector<1024x2048xi32>
    %jit3A = arith.constant 0x7F800000 : f32
    %broadcast_in_dim3A = vector.broadcast %jit3A : f32 to vector<1024x2048xf32>
    %select_n3A = arith.select %eq3A, %broadcast_in_dim3A, %add3A : vector<1024x2048xi1>, vector<1024x2048xf32>
    %mul3A_23 = arith.constant 2048 : i32
    %mul3A_24 = arith.muli %arg0, %mul3A_23 : i32
    %reduce_min3A = arith.constant dense<0x7F800000> : vector<1024xf32>
    %reduce_min3A_25 = vector.multi_reduction <minimumf>, %select_n3A, %reduce_min3A [1] : vector<1024x2048xf32> to vector<1024xf32>
    %broadcast_in_dim3A_26 = vector.shape_cast %reduce_min3A_25 : vector<1024xf32> to vector<1024x1xf32>
    %eq3A_27 = vector.broadcast %broadcast_in_dim3A_26 : vector<1024x1xf32> to vector<1024x2048xf32>
    %eq3A_28 = arith.cmpf oeq, %select_n3A, %eq3A_27 : vector<1024x2048xf32>
    %jit3A_29 = arith.constant 2.048000e+03 : f32
    %broadcast_in_dim3A_30 = vector.broadcast %jit3A_29 : f32 to vector<1024x2048xf32>
    %select_n3A_31 = arith.select %eq3A_28, %convert_element_type3A, %broadcast_in_dim3A_30 : vector<1024x2048xi1>, vector<1024x2048xf32>
    %reduce_min3A_32 = arith.constant dense<0x7F800000> : vector<1024xf32>
    %reduce_min3A_33 = vector.multi_reduction <minimumf>, %select_n3A_31, %reduce_min3A_32 [1] : vector<1024x2048xf32> to vector<1024xf32>
    %broadcast_in_dim3A_34 = vector.shape_cast %reduce_min3A_33 : vector<1024xf32> to vector<1024x1xf32>
    %eq3A_35 = vector.broadcast %broadcast_in_dim3A_34 : vector<1024x1xf32> to vector<1024x2048xf32>
    %eq3A_36 = arith.cmpf oeq, %select_n3A_31, %eq3A_35 : vector<1024x2048xf32>
    %jit3A_37 = arith.constant 0x7F800000 : f32
    %broadcast_in_dim3A_38 = vector.broadcast %jit3A_37 : f32 to vector<1024x2048xf32>
    %select_n3A_39 = arith.select %eq3A_36, %broadcast_in_dim3A_38, %select_n3A : vector<1024x2048xi1>, vector<1024x2048xf32>
    %reduce_min3A_40 = arith.constant dense<0x7F800000> : vector<1024xf32>
    %reduce_min3A_41 = vector.multi_reduction <minimumf>, %select_n3A_39, %reduce_min3A_40 [1] : vector<1024x2048xf32> to vector<1024xf32>
    %broadcast_in_dim3A_42 = vector.shape_cast %reduce_min3A_41 : vector<1024xf32> to vector<1024x1xf32>
    %eq3A_43 = vector.broadcast %broadcast_in_dim3A_42 : vector<1024x1xf32> to vector<1024x2048xf32>
    %eq3A_44 = arith.cmpf oeq, %select_n3A_39, %eq3A_43 : vector<1024x2048xf32>
    %jit3A_45 = arith.constant 2.048000e+03 : f32
    %broadcast_in_dim3A_46 = vector.broadcast %jit3A_45 : f32 to vector<1024x2048xf32>
    %select_n3A_47 = arith.select %eq3A_44, %convert_element_type3A, %broadcast_in_dim3A_46 : vector<1024x2048xi1>, vector<1024x2048xf32>
    %reduce_min3A_48 = arith.constant dense<0x7F800000> : vector<1024xf32>
    %reduce_min3A_49 = vector.multi_reduction <minimumf>, %select_n3A_47, %reduce_min3A_48 [1] : vector<1024x2048xf32> to vector<1024xf32>
    %broadcast_in_dim3A_50 = vector.shape_cast %reduce_min3A_49 : vector<1024xf32> to vector<1024x1xf32>
    %eq3A_51 = vector.broadcast %broadcast_in_dim3A_50 : vector<1024x1xf32> to vector<1024x2048xf32>
    %eq3A_52 = arith.cmpf oeq, %select_n3A_47, %eq3A_51 : vector<1024x2048xf32>
    %jit3A_53 = arith.constant 0x7F800000 : f32
    %broadcast_in_dim3A_54 = vector.broadcast %jit3A_53 : f32 to vector<1024x2048xf32>
    %select_n3A_55 = arith.select %eq3A_52, %broadcast_in_dim3A_54, %select_n3A_39 : vector<1024x2048xi1>, vector<1024x2048xf32>
    %reduce_min3A_56 = arith.constant dense<0x7F800000> : vector<1024xf32>
    %reduce_min3A_57 = vector.multi_reduction <minimumf>, %select_n3A_55, %reduce_min3A_56 [1] : vector<1024x2048xf32> to vector<1024xf32>
    %broadcast_in_dim3A_58 = vector.shape_cast %reduce_min3A_57 : vector<1024xf32> to vector<1024x1xf32>
    %eq3A_59 = vector.broadcast %broadcast_in_dim3A_58 : vector<1024x1xf32> to vector<1024x2048xf32>
    %eq3A_60 = arith.cmpf oeq, %select_n3A_55, %eq3A_59 : vector<1024x2048xf32>
    %jit3A_61 = arith.constant 2.048000e+03 : f32
    %broadcast_in_dim3A_62 = vector.broadcast %jit3A_61 : f32 to vector<1024x2048xf32>
    %select_n3A_63 = arith.select %eq3A_60, %convert_element_type3A, %broadcast_in_dim3A_62 : vector<1024x2048xi1>, vector<1024x2048xf32>
    %reduce_min3A_64 = arith.constant dense<0x7F800000> : vector<1024xf32>
    %reduce_min3A_65 = vector.multi_reduction <minimumf>, %select_n3A_63, %reduce_min3A_64 [1] : vector<1024x2048xf32> to vector<1024xf32>
    %broadcast_in_dim3A_66 = vector.shape_cast %reduce_min3A_65 : vector<1024xf32> to vector<1024x1xf32>
    %eq3A_67 = vector.broadcast %broadcast_in_dim3A_66 : vector<1024x1xf32> to vector<1024x2048xf32>
    %eq3A_68 = arith.cmpf oeq, %select_n3A_63, %eq3A_67 : vector<1024x2048xf32>
    %jit3A_69 = arith.constant 0x7F800000 : f32
    %broadcast_in_dim3A_70 = vector.broadcast %jit3A_69 : f32 to vector<1024x2048xf32>
    %select_n3A_71 = arith.select %eq3A_68, %broadcast_in_dim3A_70, %select_n3A_55 : vector<1024x2048xi1>, vector<1024x2048xf32>
    %reduce_min3A_72 = arith.constant dense<0x7F800000> : vector<1024xf32>
    %reduce_min3A_73 = vector.multi_reduction <minimumf>, %select_n3A_71, %reduce_min3A_72 [1] : vector<1024x2048xf32> to vector<1024xf32>
    %broadcast_in_dim3A_74 = vector.shape_cast %reduce_min3A_73 : vector<1024xf32> to vector<1024x1xf32>
    %eq3A_75 = vector.broadcast %broadcast_in_dim3A_74 : vector<1024x1xf32> to vector<1024x2048xf32>
    %eq3A_76 = arith.cmpf oeq, %select_n3A_71, %eq3A_75 : vector<1024x2048xf32>
    %jit3A_77 = arith.constant 2.048000e+03 : f32
    %broadcast_in_dim3A_78 = vector.broadcast %jit3A_77 : f32 to vector<1024x2048xf32>
    %select_n3A_79 = arith.select %eq3A_76, %convert_element_type3A, %broadcast_in_dim3A_78 : vector<1024x2048xi1>, vector<1024x2048xf32>
    %reduce_min3A_80 = arith.constant dense<0x7F800000> : vector<1024xf32>
    %reduce_min3A_81 = vector.multi_reduction <minimumf>, %select_n3A_79, %reduce_min3A_80 [1] : vector<1024x2048xf32> to vector<1024xf32>
    %broadcast_in_dim3A_82 = vector.shape_cast %reduce_min3A_81 : vector<1024xf32> to vector<1024x1xf32>
    %eq3A_83 = vector.broadcast %broadcast_in_dim3A_82 : vector<1024x1xf32> to vector<1024x2048xf32>
    %eq3A_84 = arith.cmpf oeq, %select_n3A_79, %eq3A_83 : vector<1024x2048xf32>
    %jit3A_85 = arith.constant 0x7F800000 : f32
    %broadcast_in_dim3A_86 = vector.broadcast %jit3A_85 : f32 to vector<1024x2048xf32>
    %select_n3A_87 = arith.select %eq3A_84, %broadcast_in_dim3A_86, %select_n3A_71 : vector<1024x2048xi1>, vector<1024x2048xf32>
    %reduce_min3A_88 = arith.constant dense<0x7F800000> : vector<1024xf32>
    %reduce_min3A_89 = vector.multi_reduction <minimumf>, %select_n3A_87, %reduce_min3A_88 [1] : vector<1024x2048xf32> to vector<1024xf32>
    %broadcast_in_dim3A_90 = vector.shape_cast %reduce_min3A_89 : vector<1024xf32> to vector<1024x1xf32>
    %eq3A_91 = vector.broadcast %broadcast_in_dim3A_90 : vector<1024x1xf32> to vector<1024x2048xf32>
    %eq3A_92 = arith.cmpf oeq, %select_n3A_87, %eq3A_91 : vector<1024x2048xf32>
    %jit3A_93 = arith.constant 2.048000e+03 : f32
    %broadcast_in_dim3A_94 = vector.broadcast %jit3A_93 : f32 to vector<1024x2048xf32>
    %select_n3A_95 = arith.select %eq3A_92, %convert_element_type3A, %broadcast_in_dim3A_94 : vector<1024x2048xi1>, vector<1024x2048xf32>
    %reduce_min3A_96 = arith.constant dense<0x7F800000> : vector<1024xf32>
    %reduce_min3A_97 = vector.multi_reduction <minimumf>, %select_n3A_95, %reduce_min3A_96 [1] : vector<1024x2048xf32> to vector<1024xf32>
    %broadcast_in_dim3A_98 = vector.shape_cast %reduce_min3A_97 : vector<1024xf32> to vector<1024x1xf32>
    %eq3A_99 = vector.broadcast %broadcast_in_dim3A_98 : vector<1024x1xf32> to vector<1024x2048xf32>
    %eq3A_100 = arith.cmpf oeq, %select_n3A_95, %eq3A_99 : vector<1024x2048xf32>
    %jit3A_101 = arith.constant 0x7F800000 : f32
    %broadcast_in_dim3A_102 = vector.broadcast %jit3A_101 : f32 to vector<1024x2048xf32>
    %select_n3A_103 = arith.select %eq3A_100, %broadcast_in_dim3A_102, %select_n3A_87 : vector<1024x2048xi1>, vector<1024x2048xf32>
    %reduce_min3A_104 = arith.constant dense<0x7F800000> : vector<1024xf32>
    %reduce_min3A_105 = vector.multi_reduction <minimumf>, %select_n3A_103, %reduce_min3A_104 [1] : vector<1024x2048xf32> to vector<1024xf32>
    %broadcast_in_dim3A_106 = vector.shape_cast %reduce_min3A_105 : vector<1024xf32> to vector<1024x1xf32>
    %eq3A_107 = vector.broadcast %broadcast_in_dim3A_106 : vector<1024x1xf32> to vector<1024x2048xf32>
    %eq3A_108 = arith.cmpf oeq, %select_n3A_103, %eq3A_107 : vector<1024x2048xf32>
    %jit3A_109 = arith.constant 2.048000e+03 : f32
    %broadcast_in_dim3A_110 = vector.broadcast %jit3A_109 : f32 to vector<1024x2048xf32>
    %select_n3A_111 = arith.select %eq3A_108, %convert_element_type3A, %broadcast_in_dim3A_110 : vector<1024x2048xi1>, vector<1024x2048xf32>
    %reduce_min3A_112 = arith.constant dense<0x7F800000> : vector<1024xf32>
    %reduce_min3A_113 = vector.multi_reduction <minimumf>, %select_n3A_111, %reduce_min3A_112 [1] : vector<1024x2048xf32> to vector<1024xf32>
    %broadcast_in_dim3A_114 = vector.shape_cast %reduce_min3A_113 : vector<1024xf32> to vector<1024x1xf32>
    %concatenate3A = tpu.concatenate %broadcast_in_dim3A_34, %broadcast_in_dim3A_50, %broadcast_in_dim3A_66, %broadcast_in_dim3A_82, %broadcast_in_dim3A_98, %broadcast_in_dim3A_114 in 1 : vector<1024x1xf32>, vector<1024x1xf32>, vector<1024x1xf32>, vector<1024x1xf32>, vector<1024x1xf32>, vector<1024x1xf32> -> vector<1024x6xf32>
    %convert_element_type3A_115 = arith.fptosi %concatenate3A : vector<1024x6xf32> to vector<1024x6xi32>
    %add3A_116 = vector.broadcast %mul3A_24 : i32 to vector<1024x6xi32>
    %add3A_117 = arith.addi %convert_element_type3A_115, %add3A_116 : vector<1024x6xi32>
    %swap3A = arith.constant 0 : index
    %swap3A_118 = arith.constant 0 : index
    %swap3A_119 = arith.constant 0 : index
    %swap3A_120 = vector.load %arg6[%swap3A, %swap3A_118, %swap3A_119] : memref<1x1024x6xi32, #tpu.memory_space<vmem>>, vector<1x1024x6xi32>
    %swap3A_121 = vector.shape_cast %swap3A_120 : vector<1x1024x6xi32> to vector<1024x6xi32>
    %swap3A_122 = vector.shape_cast %add3A_117 : vector<1024x6xi32> to vector<1x1024x6xi32>
    tpu.vector_store %arg6[%swap3A, %swap3A_118, %swap3A_119], %swap3A_122 {strides = array<i32>} : memref<1x1024x6xi32, #tpu.memory_space<vmem>>, vector<1x1024x6xi32>,
    %slice3A_123 = vector.extract_strided_slice %get3A_3 {offsets = [0, 2], sizes = [1024, 64], strides = [1, 1]} : vector<1024x66xf32> to vector<1024x64xf32>
    %get3A_124 = arith.constant 0 : index
    %get3A_125 = arith.constant 0 : index
    %get3A_126 = vector.load %arg4[%get3A_124, %get3A_125] : memref<64x32xf32, #tpu.memory_space<vmem>>, vector<64x32xf32>
    %dot_general3A = arith.constant dense<0.000000e+00> : vector<1024x32xf32>
    %dot_general3A_127 = tpu.matmul %slice3A_123, %get3A_126, %dot_general3A {dimension_numbers = #tpu.dot_dimension_numbers<[1], [0], [0], [1], [0, 0, 1, 1], [], []>, transpose_lhs_hint = false} : vector<1024x64xf32>, vector<64x32xf32>, vector<1024x32xf32> -> vector<1024x32xf32>
    %get3A_128 = arith.constant 0 : index
    %get3A_129 = arith.constant 0 : index
    %get3A_130 = vector.load %arg5[%get3A_128, %get3A_129] : memref<1x32xf32, #tpu.memory_space<vmem>>, vector<1x32xf32>
    %add3A_131 = vector.broadcast %get3A_130 : vector<1x32xf32> to vector<1024x32xf32>
    %add3A_132 = arith.addf %dot_general3A_127, %add3A_131 : vector<1024x32xf32>
    %swap3A_133 = arith.constant 0 : index
    %swap3A_134 = arith.constant 0 : index
    %swap3A_135 = arith.constant 0 : index
    %swap3A_136 = vector.load %arg7[%swap3A_133, %swap3A_134, %swap3A_135] : memref<1x1024x32xf32, #tpu.memory_space<vmem>>, vector<1x1024x32xf32>
    %swap3A_137 = vector.shape_cast %swap3A_136 : vector<1x1024x32xf32> to vector<1024x32xf32>
    %swap3A_138 = vector.shape_cast %add3A_132 : vector<1024x32xf32> to vector<1x1024x32xf32>
    tpu.vector_store %arg7[%swap3A_133, %swap3A_134, %swap3A_135], %swap3A_138 {strides = array<i32>} : memref<1x1024x32xf32, #tpu.memory_space<vmem>>, vector<1x1024x32xf32>,
    return
  }
  func.func @transform_0(%arg0: i32, %arg1: i32) -> (i32, i32, i32) {
    %add3A = arith.constant 0 : i32
    %add3A_0 = arith.addi %arg0, %add3A : i32
    %c0_i32 = arith.constant 0 : i32
    %c0_i32_1 = arith.constant 0 : i32
    return %add3A_0, %arg1, %c0_i32 : i32, i32, i32
  }
  func.func @transform_1(%arg0: i32, %arg1: i32) -> (i32, i32, i32) {
    %add3A = arith.constant 0 : i32
    %add3A_0 = arith.addi %arg0, %add3A : i32
    %c0_i32 = arith.constant 0 : i32
    %c0_i32_1 = arith.constant 0 : i32
    %c0_i32_2 = arith.constant 0 : i32
    return %add3A_0, %c0_i32, %c0_i32_1 : i32, i32, i32
  }
  func.func @transform_2(%arg0: i32, %arg1: i32) -> (i32, i32) {
    %c0_i32 = arith.constant 0 : i32
    %c0_i32_0 = arith.constant 0 : i32
    %c0_i32_1 = arith.constant 0 : i32
    return %c0_i32, %c0_i32_0 : i32, i32
  }
  func.func @transform_3(%arg0: i32, %arg1: i32) -> (i32, i32) {
    %c0_i32 = arith.constant 0 : i32
    %c0_i32_0 = arith.constant 0 : i32
    %c0_i32_1 = arith.constant 0 : i32
    return %c0_i32, %c0_i32_0 : i32, i32
  }
  func.func @transform_4(%arg0: i32, %arg1: i32) -> (i32, i32, i32) {
    %c0_i32 = arith.constant 0 : i32
    %c0_i32_0 = arith.constant 0 : i32
    return %arg0, %arg1, %c0_i32 : i32, i32, i32
  }
  func.func @transform_5(%arg0: i32, %arg1: i32) -> (i32, i32, i32) {
    %c0_i32 = arith.constant 0 : i32
    %c0_i32_0 = arith.constant 0 : i32
    return %arg0, %arg1, %c0_i32 : i32, i32, i32
  }
}

module attributes {stable_mosaic.version = 14 : i64} {
  func.func @_mlp_body(%arg0: i32, %arg1: memref<1024x32xf32, #tpu.memory_space<vmem>>, %arg2: memref<32x64xf32, #tpu.memory_space<vmem>>, %arg3: memref<1x64xf32, #tpu.memory_space<vmem>>, %arg4: memref<1024x64xf32, #tpu.memory_space<vmem>>) attributes {dimension_semantics = [#tpu.dimension_semantics<arbitrary>], iteration_bounds = array<i64: 16>, scalar_prefetch = 0 : i64, scratch_operands = 0 : i64, tpu.core_type = #tpu.core_type<tc>, window_params = [{transform_indices = @transform_0, window_bounds = array<i64: 1024, 32>}, {pipeline_mode = #tpu.pipeline_mode<synchronous>, transform_indices = @transform_1, window_bounds = array<i64: 32, 64>}, {pipeline_mode = #tpu.pipeline_mode<synchronous>, transform_indices = @transform_2, window_bounds = array<i64: 1, 64>}, {transform_indices = @transform_3, window_bounds = array<i64: 1024, 64>}]} {
    %get3A = arith.constant 0 : index
    %get3A_0 = arith.constant 0 : index
    %get3A_1 = vector.load %arg1[%get3A, %get3A_0] : memref<1024x32xf32, #tpu.memory_space<vmem>>, vector<1024x32xf32>
    %mul3A = arith.constant 0.166666672 : f32
    %mul3A_2 = vector.broadcast %mul3A : f32 to vector<1024x32xf32>
    %mul3A_3 = arith.mulf %get3A_1, %mul3A_2 : vector<1024x32xf32>
    %max3A = arith.constant 0.000000e+00 : f32
    %max3A_4 = vector.broadcast %max3A : f32 to vector<1024x32xf32>
    %max3A_5 = arith.maximumf %mul3A_3, %max3A_4 : vector<1024x32xf32>
    %get3A_6 = arith.constant 0 : index
    %get3A_7 = arith.constant 0 : index
    %get3A_8 = vector.load %arg2[%get3A_6, %get3A_7] : memref<32x64xf32, #tpu.memory_space<vmem>>, vector<32x64xf32>
    %dot_general3A = arith.constant dense<0.000000e+00> : vector<1024x64xf32>
    %dot_general3A_9 = tpu.matmul %max3A_5, %get3A_8, %dot_general3A {dimension_numbers = #tpu.dot_dimension_numbers<[1], [0], [0], [1], [0, 0, 1, 1], [], []>, transpose_lhs_hint = false} : vector<1024x32xf32>, vector<32x64xf32>, vector<1024x64xf32> -> vector<1024x64xf32>
    %get3A_10 = arith.constant 0 : index
    %get3A_11 = arith.constant 0 : index
    %get3A_12 = vector.load %arg3[%get3A_10, %get3A_11] : memref<1x64xf32, #tpu.memory_space<vmem>>, vector<1x64xf32>
    %add3A = vector.broadcast %get3A_12 : vector<1x64xf32> to vector<1024x64xf32>
    %add3A_13 = arith.addf %dot_general3A_9, %add3A : vector<1024x64xf32>
    %swap3A = arith.constant 0 : index
    %swap3A_14 = arith.constant 0 : index
    %swap3A_15 = vector.load %arg4[%swap3A, %swap3A_14] : memref<1024x64xf32, #tpu.memory_space<vmem>>, vector<1024x64xf32>
    tpu.vector_store %arg4[%swap3A, %swap3A_14], %add3A_13 {strides = array<i32>} : memref<1024x64xf32, #tpu.memory_space<vmem>>, vector<1024x64xf32>,
    return
  }
  func.func @transform_0(%arg0: i32) -> (i32, i32) {
    %c0_i32 = arith.constant 0 : i32
    %c0_i32_0 = arith.constant 0 : i32
    return %arg0, %c0_i32 : i32, i32
  }
  func.func @transform_1(%arg0: i32) -> (i32, i32) {
    %c0_i32 = arith.constant 0 : i32
    %c0_i32_0 = arith.constant 0 : i32
    %c0_i32_1 = arith.constant 0 : i32
    return %c0_i32, %c0_i32_0 : i32, i32
  }
  func.func @transform_2(%arg0: i32) -> (i32, i32) {
    %c0_i32 = arith.constant 0 : i32
    %c0_i32_0 = arith.constant 0 : i32
    %c0_i32_1 = arith.constant 0 : i32
    return %c0_i32, %c0_i32_0 : i32, i32
  }
  func.func @transform_3(%arg0: i32) -> (i32, i32) {
    %c0_i32 = arith.constant 0 : i32
    %c0_i32_0 = arith.constant 0 : i32
    return %arg0, %c0_i32 : i32, i32
  }
}

</mosaic_0001>

<sc_bundles>
// kernel: kernel.5.cloned.1.call-start
scs
__scs_entry_jumppad:
0x0: {  	(pc) =	sbr.rel $0x88, $3  }
0x1: {  	(tag) =	ssettag $0x0;
	lr =	simm.s32 $0x1  }
0x2: {  	[smem:$0x3F9C] =	sst lr;
	_ =	strace $0xD0000000  }
0x3: {  	_ = 	snop  }
0x4: {  	_ = 	snop  }
0x5: {  	_ = 	snop  }
0x6: {  	_ = 	snop  }
0x7: {  	_ = 	snop  }
__scs_overlays_trampoline_lowered:
0x8: {  	[smem:$0x3FAB] =	sst s0  }
0x9: {  	[smem:$0x3FAC] =	sst s1  }
0xa: {  	[smem:$0x3FAD] =	sst s2  }
0xb: {  	[smem:$0x3FAE] =	sst s3  }
0xc: {  	[smem:$0x3FAF] =	sst s4  }
0xd: {  	[smem:$0x3FB0] =	sst s5  }
0xe: {  	[smem:$0x3FB1] =	sst s6  }
0xf: {  	[smem:$0x3FB2] =	sst s7  }
0x10: {  	[smem:$0x3FB3] =	sst s8  }
0x11: {  	[smem:$0x3FB4] =	sst s9;
	s0 =	simm.s32 @!p0 $0x0  }
0x12: {  	s1 =	sld [smem:$0x3F9A];
	s0 =	simm.s32 @p0 $0x1  }
0x13: {  	[smem:$0x3FB5] =	sst s0;
	s0 =	simm.s32 @!p1 $0x0  }
0x14: {  	s2 =	sld [smem:$0x3F99];
	s0 =	simm.s32 @p1 $0x1  }
0x15: {  	[smem:$0x3FB6] =	sst s0;
	s0 =	simm.s32 @!p2 $0x0  }
0x16: {  	s3 =	sld [smem:$0x3FDB];
	s0 =	simm.s32 @p2 $0x1  }
0x17: {  	s4 =	simm.s32 $0x1BF5;
	[smem:$0x3FB8] =	sst s0  }
0x18: {  	s0 =	sld [smem:$0x3F9B];
	_ =	swait.ge [sflag:s4], $0x0  }
0x19: {  	s7 =	sld [smem:$0x3F9C]  }
0x1a: {  	s8 =	sadd.s32 $0xFFFFE003, lr  }
0x1b: {  	s9 =	sadd.s32 $0xFFFFFEF7, lr;
	s5 =	simm.s32 $0xFFFFFFFF;
	p2 =	slt.u32 s8, $0xFFFFF086  }
0x1c: {  	p1 =	slt.u32 s9, $0xF7A;
	s5 =	simm.s32 @!p2 $0x0  }
0x1d: {  	s5 =	simm.s32 @p1 $0x1;
	p0 =	seq.s32 s7, s2  }
0x1e: {  	s7 =	smul.u32 @!p0 $0xF7A, s2;
	p2 =	seq.s32 @!p0 s5, $0x0  }
0x1f: {  	s9 =	smul.u32 $0xF7A, s1;
	s8 =	simm.s32 @!p0 $0x1BF5;
	p2 =	por !p2, p0  }
0x20: {  	[sflag:s8] =	ssyncset.s32 @!p0 $0xFFFFF086;
	s6 =	sadd.s32 @!p0 s3, s7;
	s7 =	simm.s32 @!p0 $0x108  }
0x21: {  	s3 =	sadd.s32 s3, s9;
	s6 =	sadd.s32 @!p0 $0x88, s6;
	s7 =	simm.s32 @p2 $0x1082  }
0x22: {  	[simem:s7], [sflag:s8] =	dma.local @!p0 [hbm:s6], $0xF7A  }
0x23: {  	s9 =	sor.u32 $0xD0000000, s2;
	s6 =	simm.s32 $0x108;
	_ =	swait.ge @!p0 [sflag:s8], $0x0  }
0x24: {  	s3 =	sadd.s32 $0x88, s3;
	s6 =	simm.s32 @!p1 $0x1082;
	[sflag:s4] =	ssyncset.s32 $0xFFFFF086  }
0x25: {  	[simem:s6], [sflag:s4] =	dma.local [hbm:s3], $0xF7A  }
0x26: {  	[smem:$0x3F9C] =	sst s1;
	(tag) =	ssettag s2;
	_ =	strace s9  }
0x27: {  	s1 =	sld [smem:$0x3FAC]  }
0x28: {  	s2 =	sld [smem:$0x3FAD]  }
0x29: {  	s4 =	sld [smem:$0x3FAF]  }
0x2a: {  	p0 =	seq.s32 s5, $0x0;
	s5 =	sld [smem:$0x3FB0]  }
0x2b: {  	s6 =	sld [smem:$0x3FB1]  }
0x2c: {  	s7 =	sld [smem:$0x3FB2]  }
0x2d: {  	s3 =	simm.s32 $0x108;
	s8 =	sld [smem:$0x3FB3]  }
0x2e: {  	s3 =	simm.s32 @!p0 $0x1082;
	s9 =	sld [smem:$0x3FB4]  }
0x2f: {  	lr =	sadd.s32 s0, s3;
	s0 =	sld [smem:$0x3FAB]  }
0x30: {  	s3 =	sld [smem:$0x3FAE]  }
0x31: {  	[smem:$0x3FB7] =	sst s10  }
0x32: {  	s10 =	sld [smem:$0x3FB5];
	_ =	sdelay $0x3  }
0x33: {  	p0 =	seq.s32 s10, $0x1;
	s10 =	sld [smem:$0x3FB7];
	_ =	sdelay $0x3  }
0x34: {  	[smem:$0x3FB7] =	sst s10  }
0x35: {  	s10 =	sld [smem:$0x3FB6];
	_ =	sdelay $0x3  }
0x36: {  	p1 =	seq.s32 s10, $0x1;
	s10 =	sld [smem:$0x3FB7];
	_ =	sdelay $0x3  }
0x37: {  	[smem:$0x3FB7] =	sst s10  }
0x38: {  	s10 =	sld [smem:$0x3FB8]  }
0x39: {  	_ = 	snop;
	(pc) =	sbr.ind lr, $3  }
0x3a: {  	_ = 	snop  }
0x3b: {  	_ = 	snop  }
0x3c: {  	p2 =	seq.s32 s10, $0x1;
	s10 =	sld [smem:$0x3FB7]  }
0x3d: {  	_ =	shalt  }
0x3e: {  	_ =	shalt  }
0x3f: {  	_ =	shalt  }
0x40: {  	_ =	shalt  }
0x41: {  	_ =	shalt  }
0x42: {  	_ =	shalt  }
0x43: {  	_ =	shalt  }
0x44: {  	_ =	shalt  }
0x45: {  	_ =	shalt  }
0x46: {  	_ =	shalt  }
0x47: {  	_ =	shalt  }
0x48: {  	_ =	shalt  }
0x49: {  	_ =	shalt  }
0x4a: {  	_ =	shalt  }
0x4b: {  	_ =	shalt  }
0x4c: {  	_ =	shalt  }
0x4d: {  	_ =	shalt  }
0x4e: {  	_ =	shalt  }
0x4f: {  	_ =	shalt  }
0x50: {  	_ =	shalt  }
0x51: {  	_ =	shalt  }
0x52: {  	_ =	shalt  }
0x53: {  	_ =	shalt  }
0x54: {  	_ =	shalt  }
0x55: {  	_ =	shalt  }
0x56: {  	_ =	shalt  }
0x57: {  	_ =	shalt  }
0x58: {  	_ =	shalt  }
0x59: {  	_ =	shalt  }
0x5a: {  	_ =	shalt  }
0x5b: {  	_ =	shalt  }
0x5c: {  	_ =	shalt  }
0x5d: {  	_ =	shalt  }
0x5e: {  	_ =	shalt  }
0x5f: {  	_ =	shalt  }
0x60: {  	_ =	shalt  }
0x61: {  	_ =	shalt  }
0x62: {  	_ =	shalt  }
0x63: {  	_ =	shalt  }
0x64: {  	_ =	shalt  }
0x65: {  	_ =	shalt  }
0x66: {  	_ =	shalt  }
0x67: {  	_ =	shalt  }
0x68: {  	_ =	shalt  }
0x69: {  	_ =	shalt  }
0x6a: {  	_ =	shalt  }
0x6b: {  	_ =	shalt  }
0x6c: {  	_ =	shalt  }
0x6d: {  	_ =	shalt  }
0x6e: {  	_ =	shalt  }
0x6f: {  	_ =	shalt  }
0x70: {  	_ =	shalt  }
0x71: {  	_ =	shalt  }
0x72: {  	_ =	shalt  }
0x73: {  	_ =	shalt  }
0x74: {  	_ =	shalt  }
0x75: {  	_ =	shalt  }
0x76: {  	_ =	shalt  }
0x77: {  	_ =	shalt  }
0x78: {  	_ =	shalt  }
0x79: {  	_ =	shalt  }
0x7a: {  	_ =	shalt  }
0x7b: {  	_ =	shalt  }
0x7c: {  	_ =	shalt  }
0x7d: {  	_ =	shalt  }
0x7e: {  	_ =	shalt  }
0x7f: {  	_ =	shalt  }
0x80: {  	_ =	shalt  }
0x81: {  	_ =	shalt  }
0x82: {  	_ =	shalt  }
0x83: {  	_ =	shalt  }
0x84: {  	_ =	shalt  }
0x85: {  	_ =	shalt  }
0x86: {  	_ =	shalt  }
0x87: {  	_ =	shalt  }
.Lfunc_end0:
.L_simem_size_0:
called_computation_lowered:
.L_overlay_start_0:
0x88: {  	s2 =	sld [smem:$0x3FD9]  }
0x89: {  	s3 =	sld [smem:$0x3FFE];
	_ =	sdelay $0x1  }
0x8a: {  	s1 =	srdreg.scid  }
0x8b: {  	s0 =	sand.u32 $0x1, s1  }
0x8c: {  	s17 =	sshll.u32 s0, $0xA;
	s2 =	sadd.s32 s3, s2  }
0x8d: {  	s2 =	sadd.s32 s2, s17  }
0x8e: {  	[smem:$0x3FC3] =	sst s2  }
0x8f: {  	_ = 	snop  }
0x90: {  	s2 =	sld [smem:$0x3FD0];
	(tm) =	ssettm $0x1  }
0x91: {  	s18 =	sld [smem:$0x3FFB];
	_ =	sdelay $0x3  }
0x92: {  	_ =	strace s18  }
0x93: {  	s3 =	sld [smem:$0x3FFC];
	_ =	sdelay $0x3  }
0x94: {  	_ =	strace s3  }
0x95: {  	s3 =	sld [smem:$0x3FFD];
	_ =	sdelay $0x3  }
0x96: {  	_ =	strace s3  }
0x97: {  	_ =	strace $0x8FFFFFFF  }
0x98: {  	s19 =	sld [smem:$0x3FDB];
	_ =	sdelay $0x1  }
0x99: {  	s4 =	simm.s32 $_scs_section_size  }
0x9a: {  	s5 =	simm.s32 $_size__tile_overlayer_lowered;
	s6 =	simm.s32 $_tile_overlayer_lowered  }
0x9b: {  	s22 =	simm.s32 $0x1BFF;
	s21 =	sshll.u32 s6, $0x1;
	s3 =	sadd.s32 s4, s19  }
0x9c: {  	s7 =	simm.s32 $0x0;
	s20 =	sshll.u32 s5, $0x1;
	s5 =	sadd.s32 s21, s3  }
0x9d: {  	[timem:s7], [sflag:s22] =	dma.local [hbm:s5], s20  }
0x9e: {  	_ =	swait.ge [sflag:s22], s20  }
0x9f: {  	s4 =	ssub.s32 $0x0, s20;
	[sflag:s22] =	ssyncset.done $0x0  }
0xa0: {  	[sflag:s22] =	ssyncadd.s32 s4;
	_ =	sdelay $0x1  }
0xa1: {  	s23 =	simm.s32 $0x1B8B  }
0xa2: {  	_ =	swait.ge [sflag:s23], $0x1  }
0xa3: {  	[sflag:s23] =	ssyncset.done $0x0  }
0xa4: {  	s25 =	simm.s32 $0x1B8E;
	s24 =	sld [smem:$0x3FFE];
	[sflag:s23] =	ssyncadd.s32 $0xFFFFFFFF  }
0xa5: {  	s26 =	simm.s32 $execute0_lowered;
	[smem:$0x3FD2] =	sst s25  }
0xa6: {  	s5 =	sshll.u32 s26, $0x1;
	_ =	strace $0x80000046;
	[dreg:$0x1] =	wrdreg $0xFFFFFFFF  }
0xa7: {  	s28 =	simm.s32 $_size_execute0_lowered;
	s3 =	sadd.s32 s3, s5;
	[dreg:$0x0] =	wrdreg $0x0  }
0xa8: {  	s5 =	sshll.u32 s28, $0x1;
	[dreg:$0x2] =	wrdreg s3  }
0xa9: {  	[dreg:$0x3] =	wrdreg s5  }
0xaa: {  	[dreg:$0x4] =	wrdreg $0xC0  }
0xab: {  	_ =	task [dreg:s7], $0x5FFFF  }
0xac: {  	[dreg:$0x1] =	wrdreg $0xFFFFFFFF  }
0xad: {  	[dreg:$0x0] =	wrdreg $0x60  }
0xae: {  	[dreg:$0x2] =	wrdreg s24  }
0xaf: {  	[dreg:$0x3] =	wrdreg s2  }
0xb0: {  	[dreg:$0x4] =	wrdreg $0x9  }
0xb1: {  	_ =	task.clear_ibuf [dreg:s7], $0x5FFFF;
	_ =	strace $0x90000046  }
0xb2: {  	s29 =	simm.s32 $0x9;
	_ =	strace $0x80000048  }
0xb3: {  	_ =	swait.ge [sflag:s29], $0x1  }
0xb4: {  	[sflag:s29] =	ssyncadd.s32 $0xFFFFFFFF  }
0xb5: {  	_ =	strace $0x90000048  }
0xb6: {  	_ =	sfence  }
0xb7: {  	s30 =	sld [smem:$0x0];
	_ =	sdelay $0x2  }
0xb8: {  	s31 =	sshll.u32 s1, $0xD;
	s1 =	sshrl.u32 s1, $0x2  }
0xb9: {  	s3 =	sand.u32 $0x4000, s31;
	s1 =	sadd.s32 s1, s30  }
0xba: {  	s0 =	sor.u32 s3, s0;
	s1 =	sshll.u32 s1, $0x11  }
0xbb: {  	s0 =	sor.u32 s1, s0  }
0xbc: {  	s0 =	sadd.s32 $0x8F2B, s0  }
0xbd: {  	[sflag:s0] =	ssyncadd.remote.s32 $0x1  }
0xbe: {  	_ =	sfence.sel $0xFFFF  }
0xbf: {  	[dreg:$0x0] =	wrdreg $0xFFFFFFFF;
	(pc) =	sbr.abs _section_cstart, $3  }
0xc0: {  	[dreg:$0x1] =	wrdreg $0xFFFFFFFF  }
0xc1: {  	_ =	task.clear_ibuf [dreg:s7], $0x2FFFF;
	_ =	strace $0x9FFFFFFF  }
0xc2: {  	(tm) =	ssettm $0x7FFFFFFF  }
0xc3: {  	_ =	shalt  }
tec
execute0_lowered:
.L_overlay_start_1:
0x0: {  	(tag) =	ssettag $0x1  }
0x1: {  	s0 =	rddreg [dreg:$0x0]  }
0x2: {  	s2 =	rddreg [dreg:$0x1];
	s3 =	simm.s32 $0x0  }
0x3: {  	s1 =	srdreg.scid;
	s4 =	stileid.u32;
	s13 =	simm.s32 $0x300  }
0x4: {  	s14 =	simm.s32 $0x1;
	s15 =	simm.s32 $0x80;
	s28 =	simm.s32 $0x6600  }
0x5: {  	s29 =	simm.s32 $0x380;
	s30 =	simm.s32 $0x7600;
	s31 =	simm.s32 $0x400  }
0x6: {  	s16 =	simm.s32 $0x500;
	s17 =	simm.s32 $0xA600;
	s18 =	simm.s32 $0xB600  }
0x7: {  	[smem:$0x7FF] =	sst s3;
	s1 =	sand.u32 $0x1, s1;
	s4 =	sshll.u32 s4, $0x1  }
0x8: {  	s5 =	sadd.s32 $0xE00, s0;
	s0 =	sadd.s32 $0x3E00, s0;
	s4 =	sor.u32 s1, s4  }
0x9: {  	_ =	strace $0x80000047;
	s1 =	ssub.s32 $0x2, s1;
	s6 =	sshll.u32 s4, $0x9  }
0xa: {  	s7 =	smul.u32 $0x180, s4;
	s9 =	sshrl.u32 s1, $0x1;
	s8 =	sor.u32 $0x80, s6  }
0xb: {  	s4 =	sshll.u32 s4, $0xB;
	s11 =	sor.u32 $0x100, s6;
	s10 =	smul.u32 $0x6, s8  }
0xc: {  	s1 =	ssub.s32 s1, s9;
	s6 =	sor.u32 $0x180, s6;
	s19 =	smul.u32 $0x6, s11  }
0xd: {  	s4 =	sadd.s32 s0, s4;
	s7 =	sadd.s32 s5, s7;
	s21 =	smul.u32 $0x6, s6  }
0xe: {  	[dreg:$0x6] =	wrdreg s4;
	s24 =	sshll.u32 s8, $0x2;
	s25 =	sshll.u32 s11, $0x2  }
0xf: {  	s26 =	sshll.u32 s6, $0x2;
	s12 =	smax.u32 s1, $0x1;
	s1 =	simm.s32 $0x480  }
0x10: {  	s6 =	simm.s32 $0x4;
	[dreg:$0x3] =	wrdreg s7;
	s11 =	sadd.s32 s0, s26  }
0x11: {  	s26 =	simm.s32 $0x2;
	s20 =	sshrl.u32 s10, $0x3;
	s22 =	sshrl.u32 s19, $0x3  }
0x12: {  	s23 =	sshrl.u32 s21, $0x3;
	s10 =	sadd.s32 s0, s25;
	s19 =	simm.s32 $0x3  }
0x13: {  	s21 =	simm.s32 $0xD600;
	s7 =	sadd.s32 s5, s20;
	s4 =	sadd.s32 s5, s23  }
0x14: {  	s20 =	simm.s32 $0xC600;
	[dreg:$0x4] =	wrdreg s7;
	s7 =	sadd.s32 s5, s22  }
0x15: {  	[dreg:$0x7] =	wrdreg s4;
	s4 =	sadd.s32 s0, s24;
	s0 =	simm.s32 $0x8600  }
0x16: {  	s5 =	simm.s32 $0x580;
	s22 =	simm.s32 $0x0;
	[dreg:$0x5] =	wrdreg s7  }
0x17: {  	[dreg:$0x8] =	wrdreg s4;
	s4 =	simm.s32 $0x9600;
	s7 =	simm.s32 $0x5  }
.LBB2_1:
0x18: {  	s8 =	rddreg [dreg:$0x3]  }
0x19: {  	[tilespmem:s3], [sflag:$0x1] =	stream.linear.gather [hbm4b:s8+s3], $0x300, $0x38;
	[tilespmem:$0xE600] =	vst v63  }
0x1a: {  	s9 =	rddreg [dreg:$0x4]  }
0x1b: {  	[tilespmem:s13], [sflag:$0x2] =	stream.linear.gather [hbm4b:s9+s3], $0x300, $0x38;
	[tilespmem:$0xE600] =	vst v63  }
0x1c: {  	_ =	swait.ge [sflag:s14], $0x300  }
0x1d: {  	[sflag:s14] =	ssyncset.done $0x0  }
0x1e: {  	s23 =	simm.s32 $0x600;
	[sflag:s14] =	ssyncadd.s32 $0xFFFFFD00  }
0x1f: {  	[tilespmem:s23], [sflag:$0x3] =	stream.indirect.gather [hbm4b:s2+s15], $0x20, s3, s15, $0xb8;
	[tilespmem:$0xE600] =	vst v63  }
0x20: {  	s24 =	simm.s32 $0x1600  }
0x21: {  	[tilespmem:s24], [sflag:$0x3] =	stream.indirect.gather [hbm4b:s2+s15], $0x20, s15, s15, $0xb8;
	[tilespmem:$0xE600] =	vst v63  }
0x22: {  	s25 =	simm.s32 $0x100;
	s9 =	simm.s32 $0x2600  }
0x23: {  	[tilespmem:s9], [sflag:$0x3] =	stream.indirect.gather [hbm4b:s2+s15], $0x20, s25, s15, $0xb8;
	[tilespmem:$0xE600] =	vst v63  }
0x24: {  	s23 =	simm.s32 $0x3600;
	s9 =	simm.s32 $0x180  }
0x25: {  	[tilespmem:s23], [sflag:$0x3] =	stream.indirect.gather [hbm4b:s2+s15], $0x20, s9, s15, $0xb8;
	[tilespmem:$0xE600] =	vst v63  }
0x26: {  	s24 =	simm.s32 $0x200;
	s25 =	simm.s32 $0x4600  }
0x27: {  	[tilespmem:s25], [sflag:$0x3] =	stream.indirect.gather [hbm4b:s2+s15], $0x20, s24, s15, $0xb8;
	[tilespmem:$0xE600] =	vst v63  }
0x28: {  	s23 =	simm.s32 $0x280;
	s24 =	simm.s32 $0x5600  }
0x29: {  	[tilespmem:s24], [sflag:$0x3] =	stream.indirect.gather [hbm4b:s2+s15], $0x20, s23, s15, $0xb8;
	[tilespmem:$0xE600] =	vst v63  }
0x2a: {  	_ =	swait.ge [sflag:s26], $0x300  }
0x2b: {  	[sflag:s26] =	ssyncset.done $0x0  }
0x2c: {  	[sflag:s26] =	ssyncadd.s32 $0xFFFFFD00  }
0x2d: {  	[tilespmem:s28], [sflag:$0x4] =	stream.indirect.gather [hbm4b:s2+s15], $0x20, s13, s15, $0xb8;
	[tilespmem:$0xE600] =	vst v63  }
0x2e: {  	_ = 	snop  }
0x2f: {  	[tilespmem:s30], [sflag:$0x4] =	stream.indirect.gather [hbm4b:s2+s15], $0x20, s29, s15, $0xb8;
	[tilespmem:$0xE600] =	vst v63  }
0x30: {  	_ = 	snop  }
0x31: {  	[tilespmem:s0], [sflag:$0x4] =	stream.indirect.gather [hbm4b:s2+s15], $0x20, s31, s15, $0xb8;
	[tilespmem:$0xE600] =	vst v63  }
0x32: {  	_ = 	snop  }
0x33: {  	[tilespmem:s4], [sflag:$0x4] =	stream.indirect.gather [hbm4b:s2+s15], $0x20, s1, s15, $0xb8;
	[tilespmem:$0xE600] =	vst v63  }
0x34: {  	_ = 	snop  }
0x35: {  	[tilespmem:s17], [sflag:$0x4] =	stream.indirect.gather [hbm4b:s2+s15], $0x20, s16, s15, $0xb8;
	[tilespmem:$0xE600] =	vst v63  }
0x36: {  	_ = 	snop  }
0x37: {  	[tilespmem:s18], [sflag:$0x4] =	stream.indirect.gather [hbm4b:s2+s15], $0x20, s5, s15, $0xb8;
	[tilespmem:$0xE600] =	vst v63  }
0x38: {  	_ =	swait.ge [sflag:s19], $0x1000  }
0x39: {  	[sflag:s19] =	ssyncset.done $0x0  }
0x3a: {  	[sflag:s19] =	ssyncadd.s32 $0xFFFFF000  }
0x3b: {  	_ =	swait.ge [sflag:s19], $0x1000  }
0x3c: {  	[sflag:s19] =	ssyncset.done $0x0  }
0x3d: {  	[sflag:s19] =	ssyncadd.s32 $0xFFFFF000  }
0x3e: {  	_ =	swait.ge [sflag:s19], $0x1000  }
0x3f: {  	[sflag:s19] =	ssyncset.done $0x0  }
0x40: {  	[sflag:s19] =	ssyncadd.s32 $0xFFFFF000  }
0x41: {  	_ =	swait.ge [sflag:s19], $0x1000  }
0x42: {  	[sflag:s19] =	ssyncset.done $0x0  }
0x43: {  	[sflag:s19] =	ssyncadd.s32 $0xFFFFF000  }
0x44: {  	_ =	swait.ge [sflag:s19], $0x1000  }
0x45: {  	[sflag:s19] =	ssyncset.done $0x0  }
0x46: {  	[sflag:s19] =	ssyncadd.s32 $0xFFFFF000  }
0x47: {  	_ =	swait.ge [sflag:s19], $0x1000  }
0x48: {  	[sflag:s19] =	ssyncset.done $0x0  }
0x49: {  	s23 =	simm.s32 $0x780;
	s25 =	rddreg [dreg:$0x5];
	[sflag:s19] =	ssyncadd.s32 $0xFFFFF000  }
0x4a: {  	[tilespmem:s3], [sflag:$0x1] =	stream.linear.gather [hbm4b:s25+s3], $0x300, $0x38;
	[tilespmem:$0xE600] =	vst v63  }
0x4b: {  	v0 =	vld [tilespmem:s23+$0xC0]  }
0x4c: {  	v1 =	vld [tilespmem:s23+$0xE0]  }
0x4d: {  	v2 =	vld [tilespmem:s23+$0x100]  }
0x4e: {  	v3 =	vld [tilespmem:s23+$0x120]  }
0x4f: {  	v4 =	vld [tilespmem:s23+$0x140]  }
0x50: {  	v5 =	vld [tilespmem:s23+$0x160]  }
0x51: {  	v6 =	vld [tilespmem:s23+$0xFFFFFEA0]  }
0x52: {  	v7 =	vld [tilespmem:s23+$0xFFFFFEC0]  }
0x53: {  	v8 =	vld [tilespmem:s23+$0xFFFFFEE0]  }
0x54: {  	v9 =	vld [tilespmem:s23+$0x20]  }
0x55: {  	v12 =	vld [tilespmem:s23+$0xFFFFFE80]  }
0x56: {  	v13 =	vld [tilespmem:s23+$0xFFFFFF00]  }
0x57: {  	v14 =	vld [tilespmem:s23+$0xFFFFFF20]  }
0x58: {  	v58 =	vld [tilespmem:s23+$0xFFFFFFE0]  }
0x59: {  	v59 =	vld [tilespmem:s23+$0x40]  }
0x5a: {  	v0 =	vadd.f32 v1, v0;
	v1 =	vadd.f32 v3, v2;
	v2 =	vld [tilespmem:s23+$0xFFFFFF40]  }
0x5b: {  	v3 =	vld [tilespmem:s23+$0xFFFFFF60]  }
0x5c: {  	v7 =	vadd.f32 v8, v7;
	v8 =	vld [tilespmem:s23+$0xFFFFFFC0];
	v6 =	vadd.f32 v6, v12  }
0x5d: {  	v0 =	vadd.f32 v1, v0;
	v1 =	vadd.f32 v5, v4;
	v4 =	vld [tilespmem:s23+$0xFFFFFF80]  }
0x5e: {  	v5 =	vld [tilespmem:s23+$0xFFFFFFA0];
	v6 =	vadd.f32 v7, v6;
	v7 =	vadd.f32 v14, v13  }
0x5f: {  	v0 =	vadd.f32 v1, v0;
	v1 =	vld [tilespmem:s23+$0x0]  }
0x60: {  	s8 =	simm.s32 $0xC640;
	v6 =	vadd.f32 v7, v6;
	v7 =	vld [tilespmem:s23+$0xA0]  }
0x61: {  	v2 =	vadd.f32 v3, v2;
	v3 =	vld [tilespmem:s23+$0x60];
	[tilespmem:s8+$0x20] =	vst v0  }
0x62: {  	v0 =	vld [tilespmem:s23+$0xD0]  }
0x63: {  	v10 =	vld [tilespmem:s23+$0xF0]  }
0x64: {  	v11 =	vld [tilespmem:s23+$0x110]  }
0x65: {  	v15 =	vld [tilespmem:s23+$0x130]  }
0x66: {  	v16 =	vld [tilespmem:s23+$0x150];
	v4 =	vadd.f32 v5, v4  }
0x67: {  	v5 =	vld [tilespmem:s23+$0x80]  }
0x68: {  	[tilespmem:s8+$0xFFFFFFC0] =	vst v6;
	v6 =	vld [tilespmem:s23+$0x170];
	v2 =	vadd.f32 v4, v2;
	v4 =	vadd.f32 v58, v8  }
0x69: {  	v60 =	vld [tilespmem:s23+$0xFFFFFED0];
	v1 =	vadd.f32 v9, v1  }
0x6a: {  	v8 =	vld [tilespmem:s23+$0xFFFFFE90];
	v3 =	vadd.f32 v3, v59;
	v2 =	vadd.f32 v4, v2  }
0x6b: {  	v4 =	vld [tilespmem:s23+$0xFFFFFEB0]  }
0x6c: {  	v1 =	vadd.f32 v3, v1;
	v3 =	vadd.f32 v7, v5;
	v5 =	vld [tilespmem:s23+$0xFFFFFEF0];
	[tilespmem:s8+$0xFFFFFFE0] =	vst v2  }
0x6d: {  	v7 =	vld [tilespmem:s23+$0xFFFFFF50]  }
0x6e: {  	v1 =	vadd.f32 v3, v1;
	v61 =	vld [tilespmem:s23+$0xFFFFFF70]  }
0x6f: {  	v0 =	vadd.f32 v10, v0;
	v2 =	vadd.f32 v15, v11;
	v62 =	vld [tilespmem:s23+$0xFFFFFF90]  }
0x70: {  	v63 =	vld [tilespmem:s23+$0xFFFFFFB0];
	[tilespmem:s8+$0x0] =	vst v1  }
0x71: {  	v0 =	vadd.f32 v2, v0;
	v1 =	vadd.f32 v6, v16;
	v2 =	vld [tilespmem:s23+$0x10]  }
0x72: {  	v6 =	vadd.f32 v4, v8;
	v5 =	vadd.f32 v5, v60;
	v3 =	vld [tilespmem:s23+$0x30]  }
0x73: {  	v4 =	vld [tilespmem:s23+$0x50];
	v1 =	vadd.f32 v1, v0  }
0x74: {  	v0 =	vadd.f32 v5, v6;
	v5 =	vld [tilespmem:s23+$0x70]  }
0x75: {  	s9 =	simm.s32 $0xA80;
	s24 =	simm.s32 $0xC640;
	s25 =	simm.s32 $0x0;
	v6 =	vadd.f32 v61, v7;
	v7 =	vadd.f32 v63, v62;
	[tilespmem:s8+$0x30] =	vst v1;
	v1 =	vld [tilespmem:s23+$0xFFFFFF10]  }
.LBB2_2:
0x76: {  	v8 =	vld [tilespmem:s9+$0xC0]  }
0x77: {  	v9 =	vld [tilespmem:s9+$0xE0];
	v6 =	vadd.f32 v7, v6;
	v2 =	vadd.f32 v3, v2  }
0x78: {  	v3 =	vld [tilespmem:s9+$0x100]  }
0x79: {  	v7 =	vld [tilespmem:s9+$0x120];
	v4 =	vadd.f32 v5, v4  }
0x7a: {  	v5 =	vld [tilespmem:s9+$0x140]  }
0x7b: {  	v10 =	vld [tilespmem:s9+$0x160];
	v2 =	vadd.f32 v4, v2  }
0x7c: {  	s25 =	sadd.s32 $0x4, s25;
	v4 =	vld [tilespmem:s9+$0xFFFFFEA0]  }
0x7d: {  	p0 =	slt.u32 s25, $0x7C;
	v11 =	vld [tilespmem:s9+$0xFFFFFEC0]  }
0x7e: {  	v8 =	vadd.f32 v9, v8;
	v12 =	vld [tilespmem:s9+$0xFFFFFEE0];
	v3 =	vadd.f32 v7, v3  }
0x7f: {  	v7 =	vld [tilespmem:s9+$0xFFFFFF40]  }
0x80: {  	v9 =	vld [tilespmem:s9+$0xFFFFFF60];
	v3 =	vadd.f32 v3, v8;
	v5 =	vadd.f32 v10, v5  }
0x81: {  	v8 =	vld [tilespmem:s9+$0xFFFFFF80]  }
0x82: {  	v10 =	vld [tilespmem:s9+$0xFFFFFFA0];
	v3 =	vadd.f32 v5, v3  }
0x83: {  	s8 =	sadd.s32 $0x80, s8;
	v5 =	vadd.f32 v12, v11;
	v11 =	vld [tilespmem:s9+$0x0]  }
0x84: {  	v12 =	vld [tilespmem:s9+$0x20];
	[tilespmem:s8+$0x20] =	vst v3  }
0x85: {  	v3 =	vadd.f32 v9, v7;
	v7 =	vld [tilespmem:s9+$0xD0]  }
0x86: {  	v9 =	vld [tilespmem:s9+$0xF0]  }
0x87: {  	v8 =	vadd.f32 v10, v8;
	v10 =	vld [tilespmem:s9+$0x110]  }
0x88: {  	v13 =	vld [tilespmem:s9+$0x130]  }
0x89: {  	v3 =	vadd.f32 v8, v3;
	v8 =	vadd.f32 v12, v11;
	v11 =	vld [tilespmem:s9+$0x150]  }
0x8a: {  	v12 =	vld [tilespmem:s9+$0x170]  }
0x8b: {  	v14 =	vld [tilespmem:s9+$0x40]  }
0x8c: {  	v15 =	vld [tilespmem:s9+$0x60]  }
0x8d: {  	v7 =	vadd.f32 v9, v7;
	v16 =	vld [tilespmem:s9+$0xFFFFFE80];
	v9 =	vadd.f32 v13, v10  }
0x8e: {  	v10 =	vld [tilespmem:s9+$0xFFFFFF00]  }
0x8f: {  	v13 =	vld [tilespmem:s9+$0xFFFFFF20];
	v7 =	vadd.f32 v9, v7;
	v9 =	vadd.f32 v12, v11  }
0x90: {  	v11 =	vld [tilespmem:s9+$0xFFFFFFC0]  }
0x91: {  	v12 =	vld [tilespmem:s9+$0xFFFFFFE0];
	v14 =	vadd.f32 v15, v14;
	v7 =	vadd.f32 v9, v7  }
0x92: {  	v4 =	vadd.f32 v4, v16;
	v9 =	vld [tilespmem:s9+$0x80]  }
0x93: {  	v8 =	vadd.f32 v14, v8;
	v14 =	vld [tilespmem:s9+$0xA0];
	[tilespmem:s8+$0x30] =	vst v7  }
0x94: {  	v4 =	vadd.f32 v5, v4;
	v5 =	vadd.f32 v13, v10;
	v7 =	vld [tilespmem:s23+$0xFFFFFF30]  }
0x95: {  	v10 =	vld [tilespmem:s23+$0xFFFFFFD0]  }
0x96: {  	v4 =	vadd.f32 v5, v4;
	v5 =	vadd.f32 v12, v11;
	v11 =	vld [tilespmem:s23+$0xFFFFFFF0]  }
0x97: {  	v12 =	vld [tilespmem:s23+$0x90]  }
0x98: {  	[tilespmem:s8+$0xFFFFFFC0] =	vst v4;
	v3 =	vadd.f32 v5, v3;
	v4 =	vadd.f32 v14, v9;
	v5 =	vld [tilespmem:s23+$0xB0];
	s23 =	smov.u32 s9  }
0x99: {  	v9 =	vld [tilespmem:s9+$0xFFFFFE90];
	v1 =	vadd.f32 v7, v1  }
0x9a: {  	v7 =	vld [tilespmem:s9+$0xFFFFFEB0];
	[tilespmem:s8+$0xFFFFFFE0] =	vst v3;
	v3 =	vadd.f32 v4, v8  }
0x9b: {  	v4 =	vld [tilespmem:s9+$0xFFFFFED0];
	v0 =	vadd.f32 v1, v0;
	v1 =	vadd.f32 v11, v10  }
0x9c: {  	v8 =	vld [tilespmem:s9+$0xFFFFFEF0];
	[tilespmem:s8+$0x0] =	vst v3  }
0x9d: {  	v10 =	vld [tilespmem:s9+$0xFFFFFF50];
	[tilespmem:s24+$0xFFFFFFD0] =	vst v0;
	v0 =	vadd.f32 v1, v6;
	v1 =	vadd.f32 v5, v12  }
0x9e: {  	v5 =	vld [tilespmem:s9+$0xFFFFFF70]  }
0x9f: {  	v6 =	vadd.f32 v7, v9;
	v7 =	vld [tilespmem:s9+$0xFFFFFF90];
	[tilespmem:s24+$0xFFFFFFF0] =	vst v0;
	v0 =	vadd.f32 v1, v2  }
0xa0: {  	v9 =	vld [tilespmem:s9+$0xFFFFFFB0]  }
.Ltmp0:
0xa1: {  	v1 =	vadd.f32 v8, v4;
	v2 =	vld [tilespmem:s9+$0x10];
	[tilespmem:s24+$0x10] =	vst v0;
	s24 =	smov.u32 s8;
	(pc) =	sbr.rel @p0 .LBB2_2-.Ltmp0, $4  }
0xa2: {  	v3 =	vld [tilespmem:s9+$0x30]  }
0xa3: {  	v0 =	vadd.f32 v1, v6;
	v6 =	vadd.f32 v5, v10;
	v4 =	vld [tilespmem:s9+$0x50]  }
0xa4: {  	v5 =	vld [tilespmem:s9+$0x70]  }
0xa5: {  	s9 =	sadd.s32 $0x300, s9;
	v1 =	vld [tilespmem:s23+$0xFFFFFF10];
	v7 =	vadd.f32 v9, v7  }
0xa6: {  	v8 =	vld [tilespmem:s23+$0xFFFFFF30]  }
0xa7: {  	v9 =	vld [tilespmem:s23+$0xFFFFFFD0]  }
0xa8: {  	v10 =	vld [tilespmem:s23+$0xFFFFFFF0]  }
0xa9: {  	v11 =	vld [tilespmem:s23+$0x90]  }
0xaa: {  	v12 =	vld [tilespmem:s23+$0xB0];
	_ =	sdelay $0x1  }
0xab: {  	v2 =	vadd.f32 v3, v2;
	v3 =	vadd.f32 v5, v4  }
0xac: {  	v4 =	vadd.f32 v7, v6;
	v1 =	vadd.f32 v8, v1  }
0xad: {  	v2 =	vadd.f32 v3, v2;
	v3 =	vadd.f32 v10, v9  }
0xae: {  	v0 =	vadd.f32 v1, v0;
	v1 =	vadd.f32 v12, v11  }
0xaf: {  	v3 =	vadd.f32 v3, v4  }
0xb0: {  	[tilespmem:s24+$0xFFFFFFD0] =	vst v0;
	v0 =	vadd.f32 v1, v2  }
0xb1: {  	[tilespmem:s24+$0xFFFFFFF0] =	vst v3  }
0xb2: {  	[tilespmem:s24+$0x10] =	vst v0  }
0xb3: {  	s8 =	rddreg [dreg:$0x6]  }
0xb4: {  	[hbm4b:s8+s3] =	stream.linear.scatter [tilespmem:s20], [sflag:$0x5], $0x1000, $0x38;
	[tilespmem:$0xE600] =	vst v63  }
0xb5: {  	_ =	swait.ge [sflag:s14], $0x300  }
0xb6: {  	[sflag:s14] =	ssyncset.done $0x0  }
0xb7: {  	s23 =	simm.s32 $0x600;
	[sflag:s14] =	ssyncadd.s32 $0xFFFFFD00  }
0xb8: {  	[tilespmem:s23], [sflag:$0x3] =	stream.indirect.gather [hbm4b:s2+s15], $0x20, s3, s15, $0xb8;
	[tilespmem:$0xE600] =	vst v63  }
0xb9: {  	s24 =	simm.s32 $0x1600  }
0xba: {  	[tilespmem:s24], [sflag:$0x3] =	stream.indirect.gather [hbm4b:s2+s15], $0x20, s15, s15, $0xb8;
	[tilespmem:$0xE600] =	vst v63  }
0xbb: {  	s25 =	simm.s32 $0x100;
	s9 =	simm.s32 $0x2600  }
0xbc: {  	[tilespmem:s9], [sflag:$0x3] =	stream.indirect.gather [hbm4b:s2+s15], $0x20, s25, s15, $0xb8;
	[tilespmem:$0xE600] =	vst v63  }
0xbd: {  	s23 =	simm.s32 $0x3600;
	s9 =	simm.s32 $0x180  }
0xbe: {  	[tilespmem:s23], [sflag:$0x3] =	stream.indirect.gather [hbm4b:s2+s15], $0x20, s9, s15, $0xb8;
	[tilespmem:$0xE600] =	vst v63  }
0xbf: {  	s24 =	simm.s32 $0x200;
	s25 =	simm.s32 $0x4600  }
0xc0: {  	[tilespmem:s25], [sflag:$0x3] =	stream.indirect.gather [hbm4b:s2+s15], $0x20, s24, s15, $0xb8;
	[tilespmem:$0xE600] =	vst v63  }
0xc1: {  	s23 =	simm.s32 $0x280;
	s24 =	simm.s32 $0x5600  }
0xc2: {  	[tilespmem:s24], [sflag:$0x3] =	stream.indirect.gather [hbm4b:s2+s15], $0x20, s23, s15, $0xb8;
	[tilespmem:$0xE600] =	vst v63  }
0xc3: {  	_ =	swait.ge [sflag:s6], $0x1000  }
0xc4: {  	[sflag:s6] =	ssyncset.done $0x0  }
0xc5: {  	[sflag:s6] =	ssyncadd.s32 $0xFFFFF000  }
0xc6: {  	_ =	swait.ge [sflag:s6], $0x1000  }
0xc7: {  	[sflag:s6] =	ssyncset.done $0x0  }
0xc8: {  	[sflag:s6] =	ssyncadd.s32 $0xFFFFF000  }
0xc9: {  	_ =	swait.ge [sflag:s6], $0x1000  }
0xca: {  	[sflag:s6] =	ssyncset.done $0x0  }
0xcb: {  	[sflag:s6] =	ssyncadd.s32 $0xFFFFF000  }
0xcc: {  	_ =	swait.ge [sflag:s6], $0x1000  }
0xcd: {  	[sflag:s6] =	ssyncset.done $0x0  }
0xce: {  	[sflag:s6] =	ssyncadd.s32 $0xFFFFF000  }
0xcf: {  	_ =	swait.ge [sflag:s6], $0x1000  }
0xd0: {  	[sflag:s6] =	ssyncset.done $0x0  }
0xd1: {  	[sflag:s6] =	ssyncadd.s32 $0xFFFFF000  }
0xd2: {  	_ =	swait.ge [sflag:s6], $0x1000  }
0xd3: {  	[sflag:s6] =	ssyncset.done $0x0  }
0xd4: {  	s23 =	simm.s32 $0x6780;
	s25 =	rddreg [dreg:$0x7];
	[sflag:s6] =	ssyncadd.s32 $0xFFFFF000  }
0xd5: {  	[tilespmem:s13], [sflag:$0x2] =	stream.linear.gather [hbm4b:s25+s3], $0x300, $0x38;
	[tilespmem:$0xE600] =	vst v63  }
0xd6: {  	v0 =	vld [tilespmem:s23+$0xC0]  }
0xd7: {  	v1 =	vld [tilespmem:s23+$0xE0]  }
0xd8: {  	v2 =	vld [tilespmem:s23+$0x100]  }
0xd9: {  	v3 =	vld [tilespmem:s23+$0x120]  }
0xda: {  	v4 =	vld [tilespmem:s23+$0x140]  }
0xdb: {  	v5 =	vld [tilespmem:s23+$0x160]  }
0xdc: {  	v6 =	vld [tilespmem:s23+$0xFFFFFEA0]  }
0xdd: {  	v7 =	vld [tilespmem:s23+$0xFFFFFEC0]  }
0xde: {  	v8 =	vld [tilespmem:s23+$0xFFFFFEE0]  }
0xdf: {  	v54 =	vld [tilespmem:s23+$0x20]  }
0xe0: {  	v57 =	vld [tilespmem:s23+$0xFFFFFE80]  }
0xe1: {  	v13 =	vld [tilespmem:s23+$0xFFFFFF00]  }
0xe2: {  	v14 =	vld [tilespmem:s23+$0xFFFFFF20]  }
0xe3: {  	v58 =	vld [tilespmem:s23+$0xFFFFFFE0]  }
0xe4: {  	v59 =	vld [tilespmem:s23+$0x40]  }
0xe5: {  	v0 =	vadd.f32 v1, v0;
	v1 =	vadd.f32 v3, v2;
	v2 =	vld [tilespmem:s23+$0xFFFFFF40]  }
0xe6: {  	v3 =	vld [tilespmem:s23+$0xFFFFFF60]  }
0xe7: {  	v7 =	vadd.f32 v8, v7;
	v8 =	vld [tilespmem:s23+$0xFFFFFFC0];
	v6 =	vadd.f32 v6, v57  }
0xe8: {  	v0 =	vadd.f32 v1, v0;
	v1 =	vadd.f32 v5, v4;
	v4 =	vld [tilespmem:s23+$0xFFFFFF80]  }
0xe9: {  	v5 =	vld [tilespmem:s23+$0xFFFFFFA0];
	v6 =	vadd.f32 v7, v6;
	v7 =	vadd.f32 v14, v13  }
0xea: {  	v0 =	vadd.f32 v1, v0;
	v1 =	vld [tilespmem:s23+$0x0]  }
0xeb: {  	s8 =	simm.s32 $0xD640;
	v6 =	vadd.f32 v7, v6;
	v7 =	vld [tilespmem:s23+$0xA0]  }
0xec: {  	v2 =	vadd.f32 v3, v2;
	v3 =	vld [tilespmem:s23+$0x60];
	[tilespmem:s8+$0x20] =	vst v0  }
0xed: {  	v0 =	vld [tilespmem:s23+$0xD0]  }
0xee: {  	v55 =	vld [tilespmem:s23+$0xF0]  }
0xef: {  	v56 =	vld [tilespmem:s23+$0x110]  }
0xf0: {  	v15 =	vld [tilespmem:s23+$0x130]  }
0xf1: {  	v16 =	vld [tilespmem:s23+$0x150];
	v4 =	vadd.f32 v5, v4  }
0xf2: {  	v5 =	vld [tilespmem:s23+$0x80]  }
0xf3: {  	[tilespmem:s8+$0xFFFFFFC0] =	vst v6;
	v6 =	vld [tilespmem:s23+$0x170];
	v2 =	vadd.f32 v4, v2;
	v4 =	vadd.f32 v58, v8  }
0xf4: {  	v60 =	vld [tilespmem:s23+$0xFFFFFED0];
	v1 =	vadd.f32 v54, v1  }
0xf5: {  	v8 =	vld [tilespmem:s23+$0xFFFFFE90];
	v3 =	vadd.f32 v3, v59;
	v2 =	vadd.f32 v4, v2  }
0xf6: {  	v4 =	vld [tilespmem:s23+$0xFFFFFEB0]  }
0xf7: {  	v1 =	vadd.f32 v3, v1;
	v3 =	vadd.f32 v7, v5;
	v5 =	vld [tilespmem:s23+$0xFFFFFEF0];
	[tilespmem:s8+$0xFFFFFFE0] =	vst v2  }
0xf8: {  	v7 =	vld [tilespmem:s23+$0xFFFFFF50]  }
0xf9: {  	v1 =	vadd.f32 v3, v1;
	v61 =	vld [tilespmem:s23+$0xFFFFFF70]  }
0xfa: {  	v0 =	vadd.f32 v55, v0;
	v2 =	vadd.f32 v15, v56;
	v62 =	vld [tilespmem:s23+$0xFFFFFF90]  }
0xfb: {  	v63 =	vld [tilespmem:s23+$0xFFFFFFB0];
	[tilespmem:s8+$0x0] =	vst v1  }
0xfc: {  	v0 =	vadd.f32 v2, v0;
	v1 =	vadd.f32 v6, v16;
	v2 =	vld [tilespmem:s23+$0x10]  }
0xfd: {  	v6 =	vadd.f32 v4, v8;
	v5 =	vadd.f32 v5, v60;
	v3 =	vld [tilespmem:s23+$0x30]  }
0xfe: {  	v4 =	vld [tilespmem:s23+$0x50];
	v1 =	vadd.f32 v1, v0  }
0xff: {  	v0 =	vadd.f32 v5, v6;
	v5 =	vld [tilespmem:s23+$0x70]  }
0x100: {  	s9 =	simm.s32 $0x6A80;
	s24 =	simm.s32 $0xD640;
	s25 =	simm.s32 $0x0;
	v6 =	vadd.f32 v61, v7;
	v7 =	vadd.f32 v63, v62;
	[tilespmem:s8+$0x30] =	vst v1;
	v1 =	vld [tilespmem:s23+$0xFFFFFF10]  }
.LBB2_4:
0x101: {  	v8 =	vld [tilespmem:s9+$0xC0]  }
0x102: {  	v9 =	vld [tilespmem:s9+$0xE0];
	v6 =	vadd.f32 v7, v6;
	v2 =	vadd.f32 v3, v2  }
0x103: {  	v3 =	vld [tilespmem:s9+$0x100]  }
0x104: {  	v7 =	vld [tilespmem:s9+$0x120];
	v4 =	vadd.f32 v5, v4  }
0x105: {  	v5 =	vld [tilespmem:s9+$0x140]  }
0x106: {  	v10 =	vld [tilespmem:s9+$0x160];
	v2 =	vadd.f32 v4, v2  }
0x107: {  	s25 =	sadd.s32 $0x4, s25;
	v4 =	vld [tilespmem:s9+$0xFFFFFEA0]  }
0x108: {  	p0 =	slt.u32 s25, $0x7C;
	v11 =	vld [tilespmem:s9+$0xFFFFFEC0]  }
0x109: {  	v8 =	vadd.f32 v9, v8;
	v12 =	vld [tilespmem:s9+$0xFFFFFEE0];
	v3 =	vadd.f32 v7, v3  }
0x10a: {  	v7 =	vld [tilespmem:s9+$0xFFFFFF40]  }
0x10b: {  	v9 =	vld [tilespmem:s9+$0xFFFFFF60];
	v3 =	vadd.f32 v3, v8;
	v5 =	vadd.f32 v10, v5  }
0x10c: {  	v8 =	vld [tilespmem:s9+$0xFFFFFF80]  }
0x10d: {  	v10 =	vld [tilespmem:s9+$0xFFFFFFA0];
	v3 =	vadd.f32 v5, v3  }
0x10e: {  	s8 =	sadd.s32 $0x80, s8;
	v5 =	vadd.f32 v12, v11;
	v11 =	vld [tilespmem:s9+$0x0]  }
0x10f: {  	v12 =	vld [tilespmem:s9+$0x20];
	[tilespmem:s8+$0x20] =	vst v3  }
0x110: {  	v3 =	vadd.f32 v9, v7;
	v7 =	vld [tilespmem:s9+$0xD0]  }
0x111: {  	v9 =	vld [tilespmem:s9+$0xF0]  }
0x112: {  	v8 =	vadd.f32 v10, v8;
	v10 =	vld [tilespmem:s9+$0x110]  }
0x113: {  	v13 =	vld [tilespmem:s9+$0x130]  }
0x114: {  	v3 =	vadd.f32 v8, v3;
	v8 =	vadd.f32 v12, v11;
	v11 =	vld [tilespmem:s9+$0x150]  }
0x115: {  	v12 =	vld [tilespmem:s9+$0x170]  }
0x116: {  	v14 =	vld [tilespmem:s9+$0x40]  }
0x117: {  	v15 =	vld [tilespmem:s9+$0x60]  }
0x118: {  	v7 =	vadd.f32 v9, v7;
	v16 =	vld [tilespmem:s9+$0xFFFFFE80];
	v9 =	vadd.f32 v13, v10  }
0x119: {  	v10 =	vld [tilespmem:s9+$0xFFFFFF00]  }
0x11a: {  	v13 =	vld [tilespmem:s9+$0xFFFFFF20];
	v7 =	vadd.f32 v9, v7;
	v9 =	vadd.f32 v12, v11  }
0x11b: {  	v11 =	vld [tilespmem:s9+$0xFFFFFFC0]  }
0x11c: {  	v12 =	vld [tilespmem:s9+$0xFFFFFFE0];
	v14 =	vadd.f32 v15, v14;
	v7 =	vadd.f32 v9, v7  }
0x11d: {  	v4 =	vadd.f32 v4, v16;
	v9 =	vld [tilespmem:s9+$0x80]  }
0x11e: {  	v8 =	vadd.f32 v14, v8;
	v14 =	vld [tilespmem:s9+$0xA0];
	[tilespmem:s8+$0x30] =	vst v7  }
0x11f: {  	v4 =	vadd.f32 v5, v4;
	v5 =	vadd.f32 v13, v10;
	v7 =	vld [tilespmem:s23+$0xFFFFFF30]  }
0x120: {  	v10 =	vld [tilespmem:s23+$0xFFFFFFD0]  }
0x121: {  	v4 =	vadd.f32 v5, v4;
	v5 =	vadd.f32 v12, v11;
	v11 =	vld [tilespmem:s23+$0xFFFFFFF0]  }
0x122: {  	v12 =	vld [tilespmem:s23+$0x90]  }
0x123: {  	[tilespmem:s8+$0xFFFFFFC0] =	vst v4;
	v3 =	vadd.f32 v5, v3;
	v4 =	vadd.f32 v14, v9;
	v5 =	vld [tilespmem:s23+$0xB0];
	s23 =	smov.u32 s9  }
0x124: {  	v9 =	vld [tilespmem:s9+$0xFFFFFE90];
	v1 =	vadd.f32 v7, v1  }
0x125: {  	v7 =	vld [tilespmem:s9+$0xFFFFFEB0];
	[tilespmem:s8+$0xFFFFFFE0] =	vst v3;
	v3 =	vadd.f32 v4, v8  }
0x126: {  	v4 =	vld [tilespmem:s9+$0xFFFFFED0];
	v0 =	vadd.f32 v1, v0;
	v1 =	vadd.f32 v11, v10  }
0x127: {  	v8 =	vld [tilespmem:s9+$0xFFFFFEF0];
	[tilespmem:s8+$0x0] =	vst v3  }
0x128: {  	v10 =	vld [tilespmem:s9+$0xFFFFFF50];
	[tilespmem:s24+$0xFFFFFFD0] =	vst v0;
	v0 =	vadd.f32 v1, v6;
	v1 =	vadd.f32 v5, v12  }
0x129: {  	v5 =	vld [tilespmem:s9+$0xFFFFFF70]  }
0x12a: {  	v6 =	vadd.f32 v7, v9;
	v7 =	vld [tilespmem:s9+$0xFFFFFF90];
	[tilespmem:s24+$0xFFFFFFF0] =	vst v0;
	v0 =	vadd.f32 v1, v2  }
0x12b: {  	v9 =	vld [tilespmem:s9+$0xFFFFFFB0]  }
.Ltmp1:
0x12c: {  	v1 =	vadd.f32 v8, v4;
	v2 =	vld [tilespmem:s9+$0x10];
	[tilespmem:s24+$0x10] =	vst v0;
	s24 =	smov.u32 s8;
	(pc) =	sbr.rel @p0 .LBB2_4-.Ltmp1, $4  }
0x12d: {  	v3 =	vld [tilespmem:s9+$0x30]  }
0x12e: {  	v0 =	vadd.f32 v1, v6;
	v6 =	vadd.f32 v5, v10;
	v4 =	vld [tilespmem:s9+$0x50]  }
0x12f: {  	v5 =	vld [tilespmem:s9+$0x70]  }
0x130: {  	s9 =	sadd.s32 $0x300, s9;
	v1 =	vld [tilespmem:s23+$0xFFFFFF10];
	v7 =	vadd.f32 v9, v7  }
0x131: {  	v8 =	vld [tilespmem:s23+$0xFFFFFF30]  }
0x132: {  	v9 =	vld [tilespmem:s23+$0xFFFFFFD0]  }
0x133: {  	v10 =	vld [tilespmem:s23+$0xFFFFFFF0]  }
0x134: {  	v11 =	vld [tilespmem:s23+$0x90]  }
0x135: {  	v12 =	vld [tilespmem:s23+$0xB0];
	_ =	sdelay $0x1  }
0x136: {  	v2 =	vadd.f32 v3, v2;
	v3 =	vadd.f32 v5, v4  }
0x137: {  	v4 =	vadd.f32 v7, v6;
	v1 =	vadd.f32 v8, v1  }
0x138: {  	v2 =	vadd.f32 v3, v2;
	v3 =	vadd.f32 v10, v9  }
0x139: {  	v0 =	vadd.f32 v1, v0;
	v1 =	vadd.f32 v12, v11  }
0x13a: {  	v3 =	vadd.f32 v3, v4  }
0x13b: {  	[tilespmem:s24+$0xFFFFFFD0] =	vst v0;
	v0 =	vadd.f32 v1, v2  }
0x13c: {  	[tilespmem:s24+$0xFFFFFFF0] =	vst v3  }
0x13d: {  	[tilespmem:s24+$0x10] =	vst v0  }
0x13e: {  	s8 =	rddreg [dreg:$0x8]  }
0x13f: {  	[hbm4b:s8+s3] =	stream.linear.scatter [tilespmem:s21], [sflag:$0x5], $0x1000, $0x38;
	[tilespmem:$0xE600] =	vst v63  }
0x140: {  	_ =	swait.ge [sflag:s26], $0x300  }
0x141: {  	[sflag:s26] =	ssyncset.done $0x0  }
0x142: {  	[sflag:s26] =	ssyncadd.s32 $0xFFFFFD00  }
0x143: {  	[tilespmem:s28], [sflag:$0x4] =	stream.indirect.gather [hbm4b:s2+s15], $0x20, s13, s15, $0xb8;
	[tilespmem:$0xE600] =	vst v63  }
0x144: {  	_ = 	snop  }
0x145: {  	[tilespmem:s30], [sflag:$0x4] =	stream.indirect.gather [hbm4b:s2+s15], $0x20, s29, s15, $0xb8;
	[tilespmem:$0xE600] =	vst v63  }
0x146: {  	_ = 	snop  }
0x147: {  	[tilespmem:s0], [sflag:$0x4] =	stream.indirect.gather [hbm4b:s2+s15], $0x20, s31, s15, $0xb8;
	[tilespmem:$0xE600] =	vst v63  }
0x148: {  	_ = 	snop  }
0x149: {  	[tilespmem:s4], [sflag:$0x4] =	stream.indirect.gather [hbm4b:s2+s15], $0x20, s1, s15, $0xb8;
	[tilespmem:$0xE600] =	vst v63  }
0x14a: {  	_ = 	snop  }
0x14b: {  	[tilespmem:s17], [sflag:$0x4] =	stream.indirect.gather [hbm4b:s2+s15], $0x20, s16, s15, $0xb8;
	[tilespmem:$0xE600] =	vst v63  }
0x14c: {  	_ = 	snop  }
0x14d: {  	[tilespmem:s18], [sflag:$0x4] =	stream.indirect.gather [hbm4b:s2+s15], $0x20, s5, s15, $0xb8;
	[tilespmem:$0xE600] =	vst v63  }
0x14e: {  	_ =	swait.ge [sflag:s19], $0x1000  }
0x14f: {  	[sflag:s19] =	ssyncset.done $0x0  }
0x150: {  	[sflag:s19] =	ssyncadd.s32 $0xFFFFF000  }
0x151: {  	_ =	swait.ge [sflag:s19], $0x1000  }
0x152: {  	[sflag:s19] =	ssyncset.done $0x0  }
0x153: {  	[sflag:s19] =	ssyncadd.s32 $0xFFFFF000  }
0x154: {  	_ =	swait.ge [sflag:s19], $0x1000  }
0x155: {  	[sflag:s19] =	ssyncset.done $0x0  }
0x156: {  	[sflag:s19] =	ssyncadd.s32 $0xFFFFF000  }
0x157: {  	_ =	swait.ge [sflag:s19], $0x1000  }
0x158: {  	[sflag:s19] =	ssyncset.done $0x0  }
0x159: {  	[sflag:s19] =	ssyncadd.s32 $0xFFFFF000  }
0x15a: {  	_ =	swait.ge [sflag:s19], $0x1000  }
0x15b: {  	[sflag:s19] =	ssyncset.done $0x0  }
0x15c: {  	[sflag:s19] =	ssyncadd.s32 $0xFFFFF000  }
0x15d: {  	_ =	swait.ge [sflag:s19], $0x1000  }
0x15e: {  	[sflag:s19] =	ssyncset.done $0x0  }
0x15f: {  	[sflag:s19] =	ssyncadd.s32 $0xFFFFF000  }
0x160: {  	_ =	swait.ge [sflag:s7], $0x1000  }
0x161: {  	[sflag:s7] =	ssyncset.done $0x0  }
0x162: {  	s23 =	simm.s32 $0x780;
	[sflag:s7] =	ssyncadd.s32 $0xFFFFF000  }
0x163: {  	v0 =	vld [tilespmem:s23+$0xC0]  }
0x164: {  	v1 =	vld [tilespmem:s23+$0xE0]  }
0x165: {  	v2 =	vld [tilespmem:s23+$0x100]  }
0x166: {  	v3 =	vld [tilespmem:s23+$0x120]  }
0x167: {  	v4 =	vld [tilespmem:s23+$0x140]  }
0x168: {  	v5 =	vld [tilespmem:s23+$0x160]  }
0x169: {  	v6 =	vld [tilespmem:s23+$0xFFFFFEA0]  }
0x16a: {  	v7 =	vld [tilespmem:s23+$0xFFFFFEC0]  }
0x16b: {  	v8 =	vld [tilespmem:s23+$0xFFFFFEE0]  }
0x16c: {  	v54 =	vld [tilespmem:s23+$0x20]  }
0x16d: {  	v57 =	vld [tilespmem:s23+$0xFFFFFE80]  }
0x16e: {  	v13 =	vld [tilespmem:s23+$0xFFFFFF00]  }
0x16f: {  	v14 =	vld [tilespmem:s23+$0xFFFFFF20]  }
0x170: {  	v58 =	vld [tilespmem:s23+$0xFFFFFFE0]  }
0x171: {  	v59 =	vld [tilespmem:s23+$0x40]  }
0x172: {  	v0 =	vadd.f32 v1, v0;
	v1 =	vadd.f32 v3, v2;
	v2 =	vld [tilespmem:s23+$0xFFFFFF40]  }
0x173: {  	v3 =	vld [tilespmem:s23+$0xFFFFFF60]  }
0x174: {  	v7 =	vadd.f32 v8, v7;
	v8 =	vld [tilespmem:s23+$0xFFFFFFC0];
	v6 =	vadd.f32 v6, v57  }
0x175: {  	v0 =	vadd.f32 v1, v0;
	v1 =	vadd.f32 v5, v4;
	v4 =	vld [tilespmem:s23+$0xFFFFFF80]  }
0x176: {  	v5 =	vld [tilespmem:s23+$0xFFFFFFA0];
	v6 =	vadd.f32 v7, v6;
	v7 =	vadd.f32 v14, v13  }
0x177: {  	v0 =	vadd.f32 v1, v0;
	v1 =	vld [tilespmem:s23+$0x0]  }
0x178: {  	s8 =	simm.s32 $0xC640;
	v6 =	vadd.f32 v7, v6;
	v7 =	vld [tilespmem:s23+$0xA0]  }
0x179: {  	v2 =	vadd.f32 v3, v2;
	v3 =	vld [tilespmem:s23+$0x60];
	[tilespmem:s8+$0x20] =	vst v0  }
0x17a: {  	v0 =	vld [tilespmem:s23+$0xD0]  }
0x17b: {  	v55 =	vld [tilespmem:s23+$0xF0]  }
0x17c: {  	v56 =	vld [tilespmem:s23+$0x110]  }
0x17d: {  	v15 =	vld [tilespmem:s23+$0x130]  }
0x17e: {  	v16 =	vld [tilespmem:s23+$0x150];
	v4 =	vadd.f32 v5, v4  }
0x17f: {  	v5 =	vld [tilespmem:s23+$0x80]  }
0x180: {  	[tilespmem:s8+$0xFFFFFFC0] =	vst v6;
	v6 =	vld [tilespmem:s23+$0x170];
	v2 =	vadd.f32 v4, v2;
	v4 =	vadd.f32 v58, v8  }
0x181: {  	v60 =	vld [tilespmem:s23+$0xFFFFFED0];
	v1 =	vadd.f32 v54, v1  }
0x182: {  	v8 =	vld [tilespmem:s23+$0xFFFFFE90];
	v3 =	vadd.f32 v3, v59;
	v2 =	vadd.f32 v4, v2  }
0x183: {  	v4 =	vld [tilespmem:s23+$0xFFFFFEB0]  }
0x184: {  	v1 =	vadd.f32 v3, v1;
	v3 =	vadd.f32 v7, v5;
	v5 =	vld [tilespmem:s23+$0xFFFFFEF0];
	[tilespmem:s8+$0xFFFFFFE0] =	vst v2  }
0x185: {  	v7 =	vld [tilespmem:s23+$0xFFFFFF50]  }
0x186: {  	v1 =	vadd.f32 v3, v1;
	v61 =	vld [tilespmem:s23+$0xFFFFFF70]  }
0x187: {  	v0 =	vadd.f32 v55, v0;
	v2 =	vadd.f32 v15, v56;
	v62 =	vld [tilespmem:s23+$0xFFFFFF90]  }
0x188: {  	v63 =	vld [tilespmem:s23+$0xFFFFFFB0];
	[tilespmem:s8+$0x0] =	vst v1  }
0x189: {  	v0 =	vadd.f32 v2, v0;
	v1 =	vadd.f32 v6, v16;
	v2 =	vld [tilespmem:s23+$0x10]  }
0x18a: {  	v6 =	vadd.f32 v4, v8;
	v5 =	vadd.f32 v5, v60;
	v3 =	vld [tilespmem:s23+$0x30]  }
0x18b: {  	v4 =	vld [tilespmem:s23+$0x50];
	v1 =	vadd.f32 v1, v0  }
0x18c: {  	v0 =	vadd.f32 v5, v6;
	v5 =	vld [tilespmem:s23+$0x70]  }
0x18d: {  	s25 =	simm.s32 $0x0;
	s9 =	simm.s32 $0xA80;
	s24 =	simm.s32 $0xC640;
	v6 =	vadd.f32 v61, v7;
	v7 =	vadd.f32 v63, v62;
	[tilespmem:s8+$0x30] =	vst v1;
	v1 =	vld [tilespmem:s23+$0xFFFFFF10]  }
.LBB2_6:
0x18e: {  	v8 =	vld [tilespmem:s9+$0xC0]  }
0x18f: {  	v9 =	vld [tilespmem:s9+$0xE0];
	v6 =	vadd.f32 v7, v6;
	v2 =	vadd.f32 v3, v2  }
0x190: {  	v3 =	vld [tilespmem:s9+$0x100]  }
0x191: {  	v7 =	vld [tilespmem:s9+$0x120];
	v4 =	vadd.f32 v5, v4  }
0x192: {  	v5 =	vld [tilespmem:s9+$0x140]  }
0x193: {  	v10 =	vld [tilespmem:s9+$0x160];
	v2 =	vadd.f32 v4, v2  }
0x194: {  	s25 =	sadd.s32 $0x4, s25;
	v4 =	vld [tilespmem:s9+$0xFFFFFEA0]  }
0x195: {  	p0 =	slt.u32 s25, $0x7C;
	v11 =	vld [tilespmem:s9+$0xFFFFFEC0]  }
0x196: {  	v8 =	vadd.f32 v9, v8;
	v12 =	vld [tilespmem:s9+$0xFFFFFEE0];
	v3 =	vadd.f32 v7, v3  }
0x197: {  	v7 =	vld [tilespmem:s9+$0xFFFFFF40]  }
0x198: {  	v9 =	vld [tilespmem:s9+$0xFFFFFF60];
	v3 =	vadd.f32 v3, v8;
	v5 =	vadd.f32 v10, v5  }
0x199: {  	v8 =	vld [tilespmem:s9+$0xFFFFFF80]  }
0x19a: {  	v10 =	vld [tilespmem:s9+$0xFFFFFFA0];
	v3 =	vadd.f32 v5, v3  }
0x19b: {  	s8 =	sadd.s32 $0x80, s8;
	v5 =	vadd.f32 v12, v11;
	v11 =	vld [tilespmem:s9+$0x0]  }
0x19c: {  	v12 =	vld [tilespmem:s9+$0x20];
	[tilespmem:s8+$0x20] =	vst v3  }
0x19d: {  	v3 =	vadd.f32 v9, v7;
	v7 =	vld [tilespmem:s9+$0xD0]  }
0x19e: {  	v9 =	vld [tilespmem:s9+$0xF0]  }
0x19f: {  	v8 =	vadd.f32 v10, v8;
	v10 =	vld [tilespmem:s9+$0x110]  }
0x1a0: {  	v13 =	vld [tilespmem:s9+$0x130]  }
0x1a1: {  	v3 =	vadd.f32 v8, v3;
	v8 =	vadd.f32 v12, v11;
	v11 =	vld [tilespmem:s9+$0x150]  }
0x1a2: {  	v12 =	vld [tilespmem:s9+$0x170]  }
0x1a3: {  	v14 =	vld [tilespmem:s9+$0x40]  }
0x1a4: {  	v15 =	vld [tilespmem:s9+$0x60]  }
0x1a5: {  	v7 =	vadd.f32 v9, v7;
	v16 =	vld [tilespmem:s9+$0xFFFFFE80];
	v9 =	vadd.f32 v13, v10  }
0x1a6: {  	v10 =	vld [tilespmem:s9+$0xFFFFFF00]  }
0x1a7: {  	v13 =	vld [tilespmem:s9+$0xFFFFFF20];
	v7 =	vadd.f32 v9, v7;
	v9 =	vadd.f32 v12, v11  }
0x1a8: {  	v11 =	vld [tilespmem:s9+$0xFFFFFFC0]  }
0x1a9: {  	v12 =	vld [tilespmem:s9+$0xFFFFFFE0];
	v14 =	vadd.f32 v15, v14;
	v7 =	vadd.f32 v9, v7  }
0x1aa: {  	v4 =	vadd.f32 v4, v16;
	v9 =	vld [tilespmem:s9+$0x80]  }
0x1ab: {  	v8 =	vadd.f32 v14, v8;
	v14 =	vld [tilespmem:s9+$0xA0];
	[tilespmem:s8+$0x30] =	vst v7  }
0x1ac: {  	v4 =	vadd.f32 v5, v4;
	v5 =	vadd.f32 v13, v10;
	v7 =	vld [tilespmem:s23+$0xFFFFFF30]  }
0x1ad: {  	v10 =	vld [tilespmem:s23+$0xFFFFFFD0]  }
0x1ae: {  	v4 =	vadd.f32 v5, v4;
	v5 =	vadd.f32 v12, v11;
	v11 =	vld [tilespmem:s23+$0xFFFFFFF0]  }
0x1af: {  	v12 =	vld [tilespmem:s23+$0x90]  }
0x1b0: {  	[tilespmem:s8+$0xFFFFFFC0] =	vst v4;
	v3 =	vadd.f32 v5, v3;
	v4 =	vadd.f32 v14, v9;
	v5 =	vld [tilespmem:s23+$0xB0];
	s23 =	smov.u32 s9  }
0x1b1: {  	v9 =	vld [tilespmem:s9+$0xFFFFFE90];
	v1 =	vadd.f32 v7, v1  }
0x1b2: {  	v7 =	vld [tilespmem:s9+$0xFFFFFEB0];
	[tilespmem:s8+$0xFFFFFFE0] =	vst v3;
	v3 =	vadd.f32 v4, v8  }
0x1b3: {  	v4 =	vld [tilespmem:s9+$0xFFFFFED0];
	v0 =	vadd.f32 v1, v0;
	v1 =	vadd.f32 v11, v10  }
0x1b4: {  	v8 =	vld [tilespmem:s9+$0xFFFFFEF0];
	[tilespmem:s8+$0x0] =	vst v3  }
0x1b5: {  	v10 =	vld [tilespmem:s9+$0xFFFFFF50];
	[tilespmem:s24+$0xFFFFFFD0] =	vst v0;
	v0 =	vadd.f32 v1, v6;
	v1 =	vadd.f32 v5, v12  }
0x1b6: {  	v5 =	vld [tilespmem:s9+$0xFFFFFF70]  }
0x1b7: {  	v6 =	vadd.f32 v7, v9;
	v7 =	vld [tilespmem:s9+$0xFFFFFF90];
	[tilespmem:s24+$0xFFFFFFF0] =	vst v0;
	v0 =	vadd.f32 v1, v2  }
0x1b8: {  	v9 =	vld [tilespmem:s9+$0xFFFFFFB0]  }
.Ltmp2:
0x1b9: {  	v1 =	vadd.f32 v8, v4;
	v2 =	vld [tilespmem:s9+$0x10];
	[tilespmem:s24+$0x10] =	vst v0;
	s24 =	smov.u32 s8;
	(pc) =	sbr.rel @p0 .LBB2_6-.Ltmp2, $4  }
0x1ba: {  	v3 =	vld [tilespmem:s9+$0x30]  }
0x1bb: {  	v0 =	vadd.f32 v1, v6;
	v6 =	vadd.f32 v5, v10;
	v4 =	vld [tilespmem:s9+$0x50]  }
0x1bc: {  	v5 =	vld [tilespmem:s9+$0x70]  }
0x1bd: {  	s9 =	sadd.s32 $0x300, s9;
	v1 =	vld [tilespmem:s23+$0xFFFFFF10];
	v7 =	vadd.f32 v9, v7  }
0x1be: {  	v8 =	vld [tilespmem:s23+$0xFFFFFF30]  }
0x1bf: {  	v9 =	vld [tilespmem:s23+$0xFFFFFFD0]  }
0x1c0: {  	v10 =	vld [tilespmem:s23+$0xFFFFFFF0]  }
0x1c1: {  	v11 =	vld [tilespmem:s23+$0x90]  }
0x1c2: {  	v12 =	vld [tilespmem:s23+$0xB0];
	_ =	sdelay $0x1  }
0x1c3: {  	v2 =	vadd.f32 v3, v2;
	v3 =	vadd.f32 v5, v4  }
0x1c4: {  	v4 =	vadd.f32 v7, v6;
	v1 =	vadd.f32 v8, v1  }
0x1c5: {  	v2 =	vadd.f32 v3, v2;
	v3 =	vadd.f32 v10, v9  }
0x1c6: {  	v0 =	vadd.f32 v1, v0;
	v1 =	vadd.f32 v12, v11  }
0x1c7: {  	v3 =	vadd.f32 v3, v4  }
0x1c8: {  	[tilespmem:s24+$0xFFFFFFD0] =	vst v0;
	v0 =	vadd.f32 v1, v2  }
0x1c9: {  	[tilespmem:s24+$0xFFFFFFF0] =	vst v3  }
0x1ca: {  	[tilespmem:s24+$0x10] =	vst v0  }
0x1cb: {  	[hbm4b:s10+s3] =	stream.linear.scatter [tilespmem:s20], [sflag:$0x5], $0x1000, $0x38;
	[tilespmem:$0xE600] =	vst v63  }
0x1cc: {  	_ =	swait.ge [sflag:s6], $0x1000  }
0x1cd: {  	[sflag:s6] =	ssyncset.done $0x0  }
0x1ce: {  	[sflag:s6] =	ssyncadd.s32 $0xFFFFF000  }
0x1cf: {  	_ =	swait.ge [sflag:s6], $0x1000  }
0x1d0: {  	[sflag:s6] =	ssyncset.done $0x0  }
0x1d1: {  	[sflag:s6] =	ssyncadd.s32 $0xFFFFF000  }
0x1d2: {  	_ =	swait.ge [sflag:s6], $0x1000  }
0x1d3: {  	[sflag:s6] =	ssyncset.done $0x0  }
0x1d4: {  	[sflag:s6] =	ssyncadd.s32 $0xFFFFF000  }
0x1d5: {  	_ =	swait.ge [sflag:s6], $0x1000  }
0x1d6: {  	[sflag:s6] =	ssyncset.done $0x0  }
0x1d7: {  	[sflag:s6] =	ssyncadd.s32 $0xFFFFF000  }
0x1d8: {  	_ =	swait.ge [sflag:s6], $0x1000  }
0x1d9: {  	[sflag:s6] =	ssyncset.done $0x0  }
0x1da: {  	[sflag:s6] =	ssyncadd.s32 $0xFFFFF000  }
0x1db: {  	_ =	swait.ge [sflag:s6], $0x1000  }
0x1dc: {  	[sflag:s6] =	ssyncset.done $0x0  }
0x1dd: {  	[sflag:s6] =	ssyncadd.s32 $0xFFFFF000  }
0x1de: {  	_ =	swait.ge [sflag:s7], $0x1000  }
0x1df: {  	[sflag:s7] =	ssyncset.done $0x0  }
0x1e0: {  	s23 =	simm.s32 $0x6780;
	[sflag:s7] =	ssyncadd.s32 $0xFFFFF000  }
0x1e1: {  	v0 =	vld [tilespmem:s23+$0xC0]  }
0x1e2: {  	v1 =	vld [tilespmem:s23+$0xE0]  }
0x1e3: {  	v2 =	vld [tilespmem:s23+$0x100]  }
0x1e4: {  	v3 =	vld [tilespmem:s23+$0x120]  }
0x1e5: {  	v4 =	vld [tilespmem:s23+$0x140]  }
0x1e6: {  	v5 =	vld [tilespmem:s23+$0x160]  }
0x1e7: {  	v6 =	vld [tilespmem:s23+$0xFFFFFEA0]  }
0x1e8: {  	v7 =	vld [tilespmem:s23+$0xFFFFFEC0]  }
0x1e9: {  	v8 =	vld [tilespmem:s23+$0xFFFFFEE0]  }
0x1ea: {  	v54 =	vld [tilespmem:s23+$0x20]  }
0x1eb: {  	v57 =	vld [tilespmem:s23+$0xFFFFFE80]  }
0x1ec: {  	v13 =	vld [tilespmem:s23+$0xFFFFFF00]  }
0x1ed: {  	v14 =	vld [tilespmem:s23+$0xFFFFFF20]  }
0x1ee: {  	v58 =	vld [tilespmem:s23+$0xFFFFFFE0]  }
0x1ef: {  	v59 =	vld [tilespmem:s23+$0x40]  }
0x1f0: {  	v0 =	vadd.f32 v1, v0;
	v1 =	vadd.f32 v3, v2;
	v2 =	vld [tilespmem:s23+$0xFFFFFF40]  }
0x1f1: {  	v3 =	vld [tilespmem:s23+$0xFFFFFF60]  }
0x1f2: {  	v7 =	vadd.f32 v8, v7;
	v8 =	vld [tilespmem:s23+$0xFFFFFFC0];
	v6 =	vadd.f32 v6, v57  }
0x1f3: {  	v0 =	vadd.f32 v1, v0;
	v1 =	vadd.f32 v5, v4;
	v4 =	vld [tilespmem:s23+$0xFFFFFF80]  }
0x1f4: {  	v5 =	vld [tilespmem:s23+$0xFFFFFFA0];
	v6 =	vadd.f32 v7, v6;
	v7 =	vadd.f32 v14, v13  }
0x1f5: {  	v0 =	vadd.f32 v1, v0;
	v1 =	vld [tilespmem:s23+$0x0]  }
0x1f6: {  	s8 =	simm.s32 $0xD640;
	v6 =	vadd.f32 v7, v6;
	v7 =	vld [tilespmem:s23+$0xA0]  }
0x1f7: {  	v2 =	vadd.f32 v3, v2;
	v3 =	vld [tilespmem:s23+$0x60];
	[tilespmem:s8+$0x20] =	vst v0  }
0x1f8: {  	v0 =	vld [tilespmem:s23+$0xD0]  }
0x1f9: {  	v55 =	vld [tilespmem:s23+$0xF0]  }
0x1fa: {  	v56 =	vld [tilespmem:s23+$0x110]  }
0x1fb: {  	v15 =	vld [tilespmem:s23+$0x130]  }
0x1fc: {  	v16 =	vld [tilespmem:s23+$0x150];
	v4 =	vadd.f32 v5, v4  }
0x1fd: {  	v5 =	vld [tilespmem:s23+$0x80]  }
0x1fe: {  	[tilespmem:s8+$0xFFFFFFC0] =	vst v6;
	v6 =	vld [tilespmem:s23+$0x170];
	v2 =	vadd.f32 v4, v2;
	v4 =	vadd.f32 v58, v8  }
0x1ff: {  	v60 =	vld [tilespmem:s23+$0xFFFFFED0];
	v1 =	vadd.f32 v54, v1  }
0x200: {  	v8 =	vld [tilespmem:s23+$0xFFFFFE90];
	v3 =	vadd.f32 v3, v59;
	v2 =	vadd.f32 v4, v2  }
0x201: {  	v4 =	vld [tilespmem:s23+$0xFFFFFEB0]  }
0x202: {  	v1 =	vadd.f32 v3, v1;
	v3 =	vadd.f32 v7, v5;
	v5 =	vld [tilespmem:s23+$0xFFFFFEF0];
	[tilespmem:s8+$0xFFFFFFE0] =	vst v2  }
0x203: {  	v7 =	vld [tilespmem:s23+$0xFFFFFF50]  }
0x204: {  	v1 =	vadd.f32 v3, v1;
	v61 =	vld [tilespmem:s23+$0xFFFFFF70]  }
0x205: {  	v0 =	vadd.f32 v55, v0;
	v2 =	vadd.f32 v15, v56;
	v62 =	vld [tilespmem:s23+$0xFFFFFF90]  }
0x206: {  	v63 =	vld [tilespmem:s23+$0xFFFFFFB0];
	[tilespmem:s8+$0x0] =	vst v1  }
0x207: {  	v0 =	vadd.f32 v2, v0;
	v1 =	vadd.f32 v6, v16;
	v2 =	vld [tilespmem:s23+$0x10]  }
0x208: {  	v6 =	vadd.f32 v4, v8;
	v5 =	vadd.f32 v5, v60;
	v3 =	vld [tilespmem:s23+$0x30]  }
0x209: {  	v4 =	vld [tilespmem:s23+$0x50];
	v1 =	vadd.f32 v1, v0  }
0x20a: {  	v0 =	vadd.f32 v5, v6;
	v5 =	vld [tilespmem:s23+$0x70]  }
0x20b: {  	s25 =	simm.s32 $0x0;
	s9 =	simm.s32 $0x6A80;
	s24 =	simm.s32 $0xD640;
	v6 =	vadd.f32 v61, v7;
	v7 =	vadd.f32 v63, v62;
	[tilespmem:s8+$0x30] =	vst v1;
	v1 =	vld [tilespmem:s23+$0xFFFFFF10]  }
.LBB2_8:
0x20c: {  	v8 =	vld [tilespmem:s9+$0xC0]  }
0x20d: {  	v9 =	vld [tilespmem:s9+$0xE0];
	v6 =	vadd.f32 v7, v6;
	v2 =	vadd.f32 v3, v2  }
0x20e: {  	v3 =	vld [tilespmem:s9+$0x100]  }
0x20f: {  	v7 =	vld [tilespmem:s9+$0x120];
	v4 =	vadd.f32 v5, v4  }
0x210: {  	v5 =	vld [tilespmem:s9+$0x140]  }
0x211: {  	v10 =	vld [tilespmem:s9+$0x160];
	v2 =	vadd.f32 v4, v2  }
0x212: {  	s25 =	sadd.s32 $0x4, s25;
	v4 =	vld [tilespmem:s9+$0xFFFFFEA0]  }
0x213: {  	p0 =	slt.u32 s25, $0x7C;
	v11 =	vld [tilespmem:s9+$0xFFFFFEC0]  }
0x214: {  	v8 =	vadd.f32 v9, v8;
	v12 =	vld [tilespmem:s9+$0xFFFFFEE0];
	v3 =	vadd.f32 v7, v3  }
0x215: {  	v7 =	vld [tilespmem:s9+$0xFFFFFF40]  }
0x216: {  	v9 =	vld [tilespmem:s9+$0xFFFFFF60];
	v3 =	vadd.f32 v3, v8;
	v5 =	vadd.f32 v10, v5  }
0x217: {  	v8 =	vld [tilespmem:s9+$0xFFFFFF80]  }
0x218: {  	v10 =	vld [tilespmem:s9+$0xFFFFFFA0];
	v3 =	vadd.f32 v5, v3  }
0x219: {  	s8 =	sadd.s32 $0x80, s8;
	v5 =	vadd.f32 v12, v11;
	v11 =	vld [tilespmem:s9+$0x0]  }
0x21a: {  	v12 =	vld [tilespmem:s9+$0x20];
	[tilespmem:s8+$0x20] =	vst v3  }
0x21b: {  	v3 =	vadd.f32 v9, v7;
	v7 =	vld [tilespmem:s9+$0xD0]  }
0x21c: {  	v9 =	vld [tilespmem:s9+$0xF0]  }
0x21d: {  	v8 =	vadd.f32 v10, v8;
	v10 =	vld [tilespmem:s9+$0x110]  }
0x21e: {  	v13 =	vld [tilespmem:s9+$0x130]  }
0x21f: {  	v3 =	vadd.f32 v8, v3;
	v8 =	vadd.f32 v12, v11;
	v11 =	vld [tilespmem:s9+$0x150]  }
0x220: {  	v12 =	vld [tilespmem:s9+$0x170]  }
0x221: {  	v14 =	vld [tilespmem:s9+$0x40]  }
0x222: {  	v15 =	vld [tilespmem:s9+$0x60]  }
0x223: {  	v7 =	vadd.f32 v9, v7;
	v16 =	vld [tilespmem:s9+$0xFFFFFE80];
	v9 =	vadd.f32 v13, v10  }
0x224: {  	v10 =	vld [tilespmem:s9+$0xFFFFFF00]  }
0x225: {  	v13 =	vld [tilespmem:s9+$0xFFFFFF20];
	v7 =	vadd.f32 v9, v7;
	v9 =	vadd.f32 v12, v11  }
0x226: {  	v11 =	vld [tilespmem:s9+$0xFFFFFFC0]  }
0x227: {  	v12 =	vld [tilespmem:s9+$0xFFFFFFE0];
	v14 =	vadd.f32 v15, v14;
	v7 =	vadd.f32 v9, v7  }
0x228: {  	v4 =	vadd.f32 v4, v16;
	v9 =	vld [tilespmem:s9+$0x80]  }
0x229: {  	v8 =	vadd.f32 v14, v8;
	v14 =	vld [tilespmem:s9+$0xA0];
	[tilespmem:s8+$0x30] =	vst v7  }
0x22a: {  	v4 =	vadd.f32 v5, v4;
	v5 =	vadd.f32 v13, v10;
	v7 =	vld [tilespmem:s23+$0xFFFFFF30]  }
0x22b: {  	v10 =	vld [tilespmem:s23+$0xFFFFFFD0]  }
0x22c: {  	v4 =	vadd.f32 v5, v4;
	v5 =	vadd.f32 v12, v11;
	v11 =	vld [tilespmem:s23+$0xFFFFFFF0]  }
0x22d: {  	v12 =	vld [tilespmem:s23+$0x90]  }
0x22e: {  	[tilespmem:s8+$0xFFFFFFC0] =	vst v4;
	v3 =	vadd.f32 v5, v3;
	v4 =	vadd.f32 v14, v9;
	v5 =	vld [tilespmem:s23+$0xB0];
	s23 =	smov.u32 s9  }
0x22f: {  	v9 =	vld [tilespmem:s9+$0xFFFFFE90];
	v1 =	vadd.f32 v7, v1  }
0x230: {  	v7 =	vld [tilespmem:s9+$0xFFFFFEB0];
	[tilespmem:s8+$0xFFFFFFE0] =	vst v3;
	v3 =	vadd.f32 v4, v8  }
0x231: {  	v4 =	vld [tilespmem:s9+$0xFFFFFED0];
	v0 =	vadd.f32 v1, v0;
	v1 =	vadd.f32 v11, v10  }
0x232: {  	v8 =	vld [tilespmem:s9+$0xFFFFFEF0];
	[tilespmem:s8+$0x0] =	vst v3  }
0x233: {  	v10 =	vld [tilespmem:s9+$0xFFFFFF50];
	[tilespmem:s24+$0xFFFFFFD0] =	vst v0;
	v0 =	vadd.f32 v1, v6;
	v1 =	vadd.f32 v5, v12  }
0x234: {  	v5 =	vld [tilespmem:s9+$0xFFFFFF70]  }
0x235: {  	v6 =	vadd.f32 v7, v9;
	v7 =	vld [tilespmem:s9+$0xFFFFFF90];
	[tilespmem:s24+$0xFFFFFFF0] =	vst v0;
	v0 =	vadd.f32 v1, v2  }
0x236: {  	v9 =	vld [tilespmem:s9+$0xFFFFFFB0]  }
.Ltmp3:
0x237: {  	v1 =	vadd.f32 v8, v4;
	v2 =	vld [tilespmem:s9+$0x10];
	[tilespmem:s24+$0x10] =	vst v0;
	s24 =	smov.u32 s8;
	(pc) =	sbr.rel @p0 .LBB2_8-.Ltmp3, $4  }
0x238: {  	v3 =	vld [tilespmem:s9+$0x30]  }
0x239: {  	v0 =	vadd.f32 v1, v6;
	v6 =	vadd.f32 v5, v10;
	v4 =	vld [tilespmem:s9+$0x50]  }
0x23a: {  	v5 =	vld [tilespmem:s9+$0x70]  }
0x23b: {  	s9 =	sadd.s32 $0x300, s9;
	v1 =	vld [tilespmem:s23+$0xFFFFFF10];
	v7 =	vadd.f32 v9, v7  }
0x23c: {  	v8 =	vld [tilespmem:s23+$0xFFFFFF30]  }
0x23d: {  	v9 =	vld [tilespmem:s23+$0xFFFFFFD0]  }
0x23e: {  	v10 =	vld [tilespmem:s23+$0xFFFFFFF0]  }
0x23f: {  	v11 =	vld [tilespmem:s23+$0x90]  }
0x240: {  	v12 =	vld [tilespmem:s23+$0xB0];
	_ =	sdelay $0x1  }
0x241: {  	v2 =	vadd.f32 v3, v2;
	v59 =	vadd.f32 v5, v4  }
0x242: {  	v60 =	vadd.f32 v7, v6;
	v1 =	vadd.f32 v8, v1  }
0x243: {  	v2 =	vadd.f32 v59, v2;
	v61 =	vadd.f32 v10, v9  }
0x244: {  	v62 =	vadd.f32 v12, v11;
	v0 =	vadd.f32 v1, v0  }
0x245: {  	v3 =	vadd.f32 v61, v60  }
0x246: {  	v63 =	vadd.f32 v62, v2;
	[tilespmem:s24+$0xFFFFFFD0] =	vst v0  }
0x247: {  	[tilespmem:s24+$0xFFFFFFF0] =	vst v3  }
0x248: {  	s22 =	sadd.s32 $0x1, s22;
	[tilespmem:s24+$0x10] =	vst v63  }
0x249: {  	[hbm4b:s11+s3] =	stream.linear.scatter [tilespmem:s21], [sflag:$0x5], $0x1000, $0x38;
	[tilespmem:$0xE600] =	vst v63  }
0x24a: {  	p0 =	sne.s32 s22, s12;
	_ =	swait.ge [sflag:s7], $0x1000  }
.Ltmp4:
0x24b: {  	[sflag:s7] =	ssyncset.done $0x0;
	(pc) =	sbr.rel @p0 .LBB2_1-.Ltmp4, $4  }
0x24c: {  	[sflag:s7] =	ssyncadd.s32 $0xFFFFF000  }
0x24d: {  	_ =	swait.ge [sflag:s7], $0x1000  }
0x24e: {  	[sflag:s7] =	ssyncset.done $0x0  }
0x24f: {  	[sflag:s7] =	ssyncadd.s32 $0xFFFFF000  }
0x250: {  	_ =	sfence.sel $0x180000  }
0x251: {  	[bflag:$0x0] =	sbarrier.arrive $0xFFFF  }
0x252: {  	_ =	strace $0x90000047  }
0x253: {  	s0 =	stileid.u32;
	[bflag:$0x2] =	sbarrier.arrive $0xFFFF  }
0x254: {  	p0 =	sne.s32 s0, $0x0;
	s0 =	rddreg [dreg:$0x2]  }
0x255: {  	s0 =	sadd.s32 @!p0 $0x100000, s0  }
0x256: {  	[sflag:s0] =	ssyncadd.tile.s32 @!p0 $0x1;
	_ =	shalt  }
.Lfunc_end2:
_tile_overlayer_lowered:
.L_overlay_start_2:
0x257: {  	(tag) =	ssettag $0x2  }
0x258: {  	s0 =	rddreg [dreg:$0x0];
	s2 =	stileid.u32  }
0x259: {  	s1 =	rddreg [dreg:$0x1];
	p0 =	sne.s32 s2, $0x0  }
0x25a: {  	s3 =	rddreg [dreg:$0x2];
	[bflag:$0x3] =	sbarrier.arrive $0xFFFF;
	s2 =	simm.s32 @!p0 $0x1C06  }
0x25b: {  	[timem:s3], [sflag:s2] =	dma.local @!p0 [hbm:s0], s1  }
0x25c: {  	s0 =	simm.s32 @!p0 $0x6  }
0x25d: {  	_ =	swait.ge @!p0 [sflag:s0], s1  }
0x25e: {  	s1 =	ssub.s32 @!p0 $0x0, s1;
	[sflag:s0] =	ssyncset.done @!p0 $0x0  }
0x25f: {  	[sflag:s0] =	ssyncadd.s32 @!p0 s1  }
0x260: {  	[bflag:$0x3] =	sbarrier.arrive $0xFFFF  }
0x261: {  	_ =	shalt  }

</sc_bundles>
